<compile_context>
chip_gen: v7x
topology: tpu7x:2x2x1
jax: 0.10.2.dev20260603
libtpu: 0.0.44.dev20260713+nightly
codegen_flags: <defaults>
</compile_context>

<pallas_src>
import functools
import math

import jax
import jax.numpy as jnp
import numpy as np
from jax import lax
from jax.experimental import pallas as pl
from jax.experimental.pallas import tpu as pltpu
from jax.experimental.pallas import tpu_sc as plsc

NUM_EMB = 100000
DIM = 32
BATCH = 16384
HIST = 200

NC = 2
NS = 16
NW = NC * NS

B_TOT = BATCH * HIST
B_PER_W = B_TOT // NW
TB = 2048
CHUNK = 1024
KSUB = CHUNK // 128
N_CHUNK = B_PER_W // CHUNK
NBUF = 2
assert B_PER_W * NW == B_TOT and N_CHUNK * CHUNK == B_PER_W
assert B_PER_W % TB == 0 and N_CHUNK % NBUF == 0


def _pe_host() -> np.ndarray:
    position = np.arange(0, NUM_EMB, dtype=np.float32)[:, None]
    div_term = np.exp(
        np.arange(0, DIM, 2, dtype=np.float32) * (-(math.log(10000.0) / DIM))
    )
    pe = np.zeros((NUM_EMB, DIM), dtype=np.float32)
    pe[:, 0::2] = np.sin(position * div_term)
    pe[:, 1::2] = np.cos(position * div_term)
    return pe


_PE = _pe_host()


def _add_body(wt_ref, pe_ref, out_ref):
    out_ref[...] = wt_ref[...].T + pe_ref[...]


_TBM = 2048


def _table_add(emb_weight):
    wt = emb_weight.T
    pe = jnp.asarray(_PE)
    grid = (NUM_EMB + _TBM - 1) // _TBM
    return pl.pallas_call(
        _add_body,
        out_shape=jax.ShapeDtypeStruct((NUM_EMB, DIM), jnp.float32),
        grid=(grid,),
        in_specs=[
            pl.BlockSpec((DIM, _TBM), lambda i: (0, i)),
            pl.BlockSpec((_TBM, DIM), lambda i: (i, 0)),
        ],
        out_specs=pl.BlockSpec((_TBM, DIM), lambda i: (i, 0)),
    )(wt, pe)


def _gather_body(table_hbm, idx_hbm, out_hbm, idx_v, rows_v,
                 idx_s0, idx_s1, gat_s0, gat_s1, out_s0, out_s1):
    wid = lax.axis_index("s") * NC + lax.axis_index("c")
    base_i = wid * (B_PER_W // 128)
    base_a = wid * (B_PER_W // 4)
    idx_sems = (idx_s0, idx_s1)
    gat_sems = (gat_s0, gat_s1)
    out_sems = (out_s0, out_s1)

    def idx_load(b, g):
        return pltpu.make_async_copy(
            idx_hbm.at[pl.ds(base_i + g * KSUB, KSUB)], idx_v.at[b],
            idx_sems[b])

    def gathers(b):
        return [
            pltpu.make_async_copy(
                table_hbm.at[idx_v.at[b, j]],
                rows_v.at[b, j // 4, pl.ds((j % 4) * 128, 128)],
                gat_sems[b])
            for j in range(KSUB)
        ]

    def writeback(b, t):
        c0 = 2 * (b % 2)
        a0 = base_a + t * (TB // 4)
        return [
            pltpu.make_async_copy(
                rows_v.at[b, s],
                out_hbm.at[pl.ds(a0, TB // 4),
                           pl.ds((c0 + s) * DIM, DIM)],
                out_sems[b])
            for s in range(2)
        ]

    for b in range(NBUF):
        idx_load(b, b).start()

    def outer(t, carry):
        go = t * NBUF
        for b in range(NBUF):
            g = go + b
            idx_load(b, g).wait()

            @pl.when(g >= NBUF)
            def _():
                for c in writeback(b, 0):
                    c.wait()

            for c in gathers(b):
                c.start()
        for b in range(NBUF):
            g = go + b
            for c in gathers(b):
                c.wait()

            @pl.when(g + NBUF < N_CHUNK)
            def _():
                idx_load(b, g + NBUF).start()

            for c in writeback(b, t):
                c.start()
        return carry

    lax.fori_loop(0, N_CHUNK // NBUF, outer, 0)

    for b in range(NBUF):
        for c in writeback(b, 0):
            c.wait()


def _gather_sc(table, idx_flat):
    k = functools.partial(
        pl.kernel,
        mesh=plsc.VectorSubcoreMesh(core_axis_name="c", subcore_axis_name="s"),
        out_type=jax.ShapeDtypeStruct((B_TOT // 4, 4 * DIM), jnp.float32),
        scratch_types=[
            pltpu.VMEM((NBUF, KSUB, 128), jnp.int32),
            pltpu.VMEM((NBUF, 2, CHUNK // 2, DIM), jnp.float32),
            pltpu.SemaphoreType.DMA,
            pltpu.SemaphoreType.DMA,
            pltpu.SemaphoreType.DMA,
            pltpu.SemaphoreType.DMA,
            pltpu.SemaphoreType.DMA,
            pltpu.SemaphoreType.DMA,
        ],
        compiler_params=pltpu.CompilerParams(use_tc_tiling_on_sc=False),
    )(_gather_body)
    return k(table, idx_flat)


def _tr_body(in_ref, out_ref):
    x = in_ref[...]
    xt = x.T
    for q in range(4):
        out_ref[0, :, pl.ds(q * (TB // 4), TB // 4)] = (
            xt[32 * q:32 * (q + 1), :])


def _transpose_tc(m128):
    return pl.pallas_call(
        _tr_body,
        out_shape=jax.ShapeDtypeStruct((HIST, DIM, BATCH), jnp.float32),
        grid=(HIST, BATCH // TB),
        in_specs=[pl.BlockSpec((TB // 4, 128),
                               lambda h, b: (h * (BATCH // TB) + b, 0))],
        out_specs=pl.BlockSpec((1, DIM, TB), lambda h, b: (h, 0, b)),
    )(m128)


def kernel(indices, emb_weight):
    table = _table_add(emb_weight)
    idx_flat = indices.T.reshape(B_TOT).astype(jnp.int32)
    m = _gather_sc(table, idx_flat.reshape(B_TOT // 128, 128))
    t3 = _transpose_tc(m)
    return jnp.transpose(t3, (2, 0, 1))

# --- scband reference (transcript-rebuilt; emitter-appended) ---
"""Pipeline reference for scband-positional-embedding-25795573580615 (READ-ONLY COPY).

The authoritative reference and input builder live on the scoring server;
editing this copy changes nothing except your own understanding.
"""

import math
import jax, jax.numpy as jnp
import numpy as np

NUM_EMBEDDINGS = 100000
EMBEDDING_DIM = 32
BATCH = 16384
HIST_LEN = 200


def make_pe():
    position = np.arange(0, NUM_EMBEDDINGS, dtype=np.float32)[:, None]
    div_term = np.exp(np.arange(0, EMBEDDING_DIM, 2, dtype=np.float32) * (-(math.log(10000.0) / EMBEDDING_DIM)))
    pe = np.zeros((NUM_EMBEDDINGS, EMBEDDING_DIM), dtype=np.float32)
    pe[:, 0::2] = np.sin(position * div_term)
    pe[:, 1::2] = np.cos(position * div_term)
    return jnp.asarray(pe)


def setup_inputs(seed: int = 0) -> dict:
    key = jax.random.key(seed)
    k_idx, k_w = jax.random.split(key)
    indices = jax.random.randint(k_idx, (BATCH, HIST_LEN), 0, NUM_EMBEDDINGS, dtype=jnp.int64 if jax.config.read('jax_enable_x64') else jnp.int32)
    emb_weight = jax.random.normal(k_w, (NUM_EMBEDDINGS, EMBEDDING_DIM), dtype=jnp.float32) * 0.02
    return {"indices": indices, "emb_weight": emb_weight}


def reference(indices, emb_weight):
    # Effective table = learned embedding weight + fixed sinusoidal positional encoding
    pe = make_pe()
    table = emb_weight + pe
    # Embedding lookup (gather)
    out = jnp.take(table, indices, axis=0)
    return out

if __name__ == "__main__":
    import jax
    _d = setup_inputs()
    print(jax.jit(kernel)(*tuple(_d.values())))

</pallas_src>

<mosaic_0001>
#map = affine_map<(d0, d1) -> (0, 0)>
module attributes {stable_mosaic.version = 14 : i64} {
  func.func @_gather_body(%arg0: i32, %arg1: i32, %arg2: memref<100000x32xf32, #tpu.memory_space<hbm>>, %arg3: memref<25600x128xi32, #tpu.memory_space<hbm>>, %arg4: memref<819200x128xf32, #tpu.memory_space<hbm>>, %arg5: memref<2x8x128xi32, #tpu.memory_space<vmem>>, %arg6: memref<2x2x512x32xf32, #tpu.memory_space<vmem>>, %arg7: memref<!tpu.dma_semaphore, #tpu.memory_space<semaphore_mem>>, %arg8: memref<!tpu.dma_semaphore, #tpu.memory_space<semaphore_mem>>, %arg9: memref<!tpu.dma_semaphore, #tpu.memory_space<semaphore_mem>>, %arg10: memref<!tpu.dma_semaphore, #tpu.memory_space<semaphore_mem>>, %arg11: memref<!tpu.dma_semaphore, #tpu.memory_space<semaphore_mem>>, %arg12: memref<!tpu.dma_semaphore, #tpu.memory_space<semaphore_mem>>) attributes {dimension_semantics = [#tpu.dimension_semantics<core_parallel>, #tpu.dimension_semantics<subcore_parallel>], iteration_bounds = array<i64: 2, 16>, scalar_prefetch = 0 : i64, scratch_operands = 8 : i64, tpu.core_type = #tpu.core_type<sc_vector_subcore>, window_params = [{transform_indices = #map}, {transform_indices = #map}, {transform_indices = #map}]} {
    %mul3A = arith.constant 2 : i32
    %mul3A_0 = arith.muli %arg1, %mul3A : i32
    %add3A = arith.addi %mul3A_0, %arg0 : i32
    %mul3A_1 = arith.constant 800 : i32
    %mul3A_2 = arith.muli %add3A, %mul3A_1 : i32
    %mul3A_3 = arith.constant 25600 : i32
    %mul3A_4 = arith.muli %add3A, %mul3A_3 : i32
    %add3A_5 = arith.constant 0 : i32
    %add3A_6 = arith.addi %mul3A_2, %add3A_5 : i32
    %dma_start3A = arith.constant 0 : i32
    %dma_start3A_7 = arith.constant 0 : i32
    %dma_start3A_8 = arith.constant 0 : i32
    %dma_start3A_9 = tpu.memref_slice %arg5[%dma_start3A, %dma_start3A_7, %dma_start3A_8] : memref<2x8x128xi32, #tpu.memory_space<vmem>> -> memref<1x8x128xi32, #tpu.memory_space<vmem>>
    %dma_start3A_10 = tpu.memref_squeeze %dma_start3A_9 : memref<1x8x128xi32, #tpu.memory_space<vmem>> -> memref<8x128xi32, #tpu.memory_space<vmem>>
    %dma_start3A_11 = arith.constant 0 : i32
    %dma_start3A_12 = tpu.memref_slice %arg3[%add3A_6, %dma_start3A_11] : memref<25600x128xi32, #tpu.memory_space<hbm>> -> memref<8x128xi32, #tpu.memory_space<hbm>>
    %dma_start3A_13 = arith.constant 0 : i32
    %dma_start3A_14 = arith.constant 0 : i32
    %dma_start3A_15 = tpu.memref_slice %arg5[%dma_start3A, %dma_start3A_13, %dma_start3A_14] : memref<2x8x128xi32, #tpu.memory_space<vmem>> -> memref<1x8x128xi32, #tpu.memory_space<vmem>>
    %dma_start3A_16 = tpu.memref_squeeze %dma_start3A_15 : memref<1x8x128xi32, #tpu.memory_space<vmem>> -> memref<8x128xi32, #tpu.memory_space<vmem>>
    %dma_start3A_17 = arith.constant 0 : i32
    %dma_start3A_18 = tpu.memref_slice %arg3[%add3A_6, %dma_start3A_17] : memref<25600x128xi32, #tpu.memory_space<hbm>> -> memref<8x128xi32, #tpu.memory_space<hbm>>
    tpu.enqueue_dma source(%dma_start3A_18 : memref<8x128xi32, #tpu.memory_space<hbm>>) target(%dma_start3A_16 : memref<8x128xi32, #tpu.memory_space<vmem>>) target_semaphore(%arg7 : memref<!tpu.dma_semaphore, #tpu.memory_space<semaphore_mem>>)
    %add3A_19 = arith.constant 8 : i32
    %add3A_20 = arith.addi %mul3A_2, %add3A_19 : i32
    %dma_start3A_21 = arith.constant 1 : i32
    %dma_start3A_22 = arith.constant 0 : i32
    %dma_start3A_23 = arith.constant 0 : i32
    %dma_start3A_24 = tpu.memref_slice %arg5[%dma_start3A_21, %dma_start3A_22, %dma_start3A_23] : memref<2x8x128xi32, #tpu.memory_space<vmem>> -> memref<1x8x128xi32, #tpu.memory_space<vmem>>
    %dma_start3A_25 = tpu.memref_squeeze %dma_start3A_24 : memref<1x8x128xi32, #tpu.memory_space<vmem>> -> memref<8x128xi32, #tpu.memory_space<vmem>>
    %dma_start3A_26 = arith.constant 0 : i32
    %dma_start3A_27 = tpu.memref_slice %arg3[%add3A_20, %dma_start3A_26] : memref<25600x128xi32, #tpu.memory_space<hbm>> -> memref<8x128xi32, #tpu.memory_space<hbm>>
    %dma_start3A_28 = arith.constant 0 : i32
    %dma_start3A_29 = arith.constant 0 : i32
    %dma_start3A_30 = tpu.memref_slice %arg5[%dma_start3A_21, %dma_start3A_28, %dma_start3A_29] : memref<2x8x128xi32, #tpu.memory_space<vmem>> -> memref<1x8x128xi32, #tpu.memory_space<vmem>>
    %dma_start3A_31 = tpu.memref_squeeze %dma_start3A_30 : memref<1x8x128xi32, #tpu.memory_space<vmem>> -> memref<8x128xi32, #tpu.memory_space<vmem>>
    %dma_start3A_32 = arith.constant 0 : i32
    %dma_start3A_33 = tpu.memref_slice %arg3[%add3A_20, %dma_start3A_32] : memref<25600x128xi32, #tpu.memory_space<hbm>> -> memref<8x128xi32, #tpu.memory_space<hbm>>
    tpu.enqueue_dma source(%dma_start3A_33 : memref<8x128xi32, #tpu.memory_space<hbm>>) target(%dma_start3A_31 : memref<8x128xi32, #tpu.memory_space<vmem>>) target_semaphore(%arg8 : memref<!tpu.dma_semaphore, #tpu.memory_space<semaphore_mem>>)
    %scan3A = arith.constant 0 : i32
    %scan3A_34 = arith.constant 0 : i32
    %scan3A_35 = arith.constant 50 : i32
    %scan3A_36 = arith.addi %scan3A_34, %scan3A_35 : i32
    %scan3A_37 = arith.constant 1 : i32
    scf.for %scan3A_98 = %scan3A_34 to %scan3A_36 step %scan3A_37  : i32 {
      %mul3A_99 = arith.constant 2 : i32
      %mul3A_100 = arith.muli %scan3A_98, %mul3A_99 : i32
      %add3A_101 = arith.constant 0 : i32
      %add3A_102 = arith.addi %mul3A_100, %add3A_101 : i32
      %mul3A_103 = arith.constant 8 : i32
      %mul3A_104 = arith.muli %add3A_102, %mul3A_103 : i32
      %add3A_105 = arith.addi %mul3A_2, %mul3A_104 : i32
      %dma_wait3A_106 = arith.constant 0 : i32
      %dma_wait3A_107 = arith.constant 0 : i32
      %dma_wait3A_108 = arith.constant 0 : i32
      %dma_wait3A_109 = tpu.memref_slice %arg5[%dma_wait3A_106, %dma_wait3A_107, %dma_wait3A_108] : memref<2x8x128xi32, #tpu.memory_space<vmem>> -> memref<1x8x128xi32, #tpu.memory_space<vmem>>
      %dma_wait3A_110 = tpu.memref_squeeze %dma_wait3A_109 : memref<1x8x128xi32, #tpu.memory_space<vmem>> -> memref<8x128xi32, #tpu.memory_space<vmem>>
      %dma_wait3A_111 = arith.constant 0 : i32
      %dma_wait3A_112 = tpu.memref_slice %arg3[%add3A_105, %dma_wait3A_111] : memref<25600x128xi32, #tpu.memory_space<hbm>> -> memref<8x128xi32, #tpu.memory_space<hbm>>
      %dma_wait3A_113 = arith.constant 0 : i32
      %dma_wait3A_114 = arith.constant 0 : i32
      %dma_wait3A_115 = tpu.memref_slice %arg5[%dma_wait3A_106, %dma_wait3A_113, %dma_wait3A_114] : memref<2x8x128xi32, #tpu.memory_space<vmem>> -> memref<1x8x128xi32, #tpu.memory_space<vmem>>
      %dma_wait3A_116 = tpu.memref_squeeze %dma_wait3A_115 : memref<1x8x128xi32, #tpu.memory_space<vmem>> -> memref<8x128xi32, #tpu.memory_space<vmem>>
      %dma_wait3A_117 = arith.constant 0 : i32
      %dma_wait3A_118 = tpu.memref_slice %arg3[%add3A_105, %dma_wait3A_117] : memref<25600x128xi32, #tpu.memory_space<hbm>> -> memref<8x128xi32, #tpu.memory_space<hbm>>
      tpu.wait_dma2 semaphore(%arg7 : memref<!tpu.dma_semaphore, #tpu.memory_space<semaphore_mem>>) src(%dma_wait3A_118 : memref<8x128xi32, #tpu.memory_space<hbm>>) dst(%dma_wait3A_116 : memref<8x128xi32, #tpu.memory_space<vmem>>)
      %ge3A = arith.constant 2 : i32
      %ge3A_119 = arith.cmpi sge, %add3A_102, %ge3A : i32
      %convert_element_type3A = arith.extui %ge3A_119 : i1 to i32
      %cond3A = arith.constant 0 : i32
      %cond3A_120 = arith.cmpi ne, %convert_element_type3A, %cond3A : i32
      scf.if %cond3A_120 {
        %add3A_671 = arith.constant 0 : i32
        %add3A_672 = arith.addi %mul3A_4, %add3A_671 : i32
        %dma_wait3A_673 = arith.constant 0 : i32
        %dma_wait3A_674 = arith.constant 0 : i32
        %dma_wait3A_675 = arith.constant 0 : i32
        %dma_wait3A_676 = arith.constant 0 : i32
        %dma_wait3A_677 = tpu.memref_slice %arg6[%dma_wait3A_673, %dma_wait3A_674, %dma_wait3A_675, %dma_wait3A_676] : memref<2x2x512x32xf32, #tpu.memory_space<vmem>> -> memref<1x1x512x32xf32, #tpu.memory_space<vmem>>
        %dma_wait3A_678 = tpu.memref_squeeze %dma_wait3A_677 : memref<1x1x512x32xf32, #tpu.memory_space<vmem>> -> memref<512x32xf32, #tpu.memory_space<vmem>>
        %dma_wait3A_679 = arith.constant 0 : i32
        %dma_wait3A_680 = tpu.memref_slice %arg4[%add3A_672, %dma_wait3A_679] : memref<819200x128xf32, #tpu.memory_space<hbm>> -> memref<512x32xf32, #tpu.memory_space<hbm>>
        %dma_wait3A_681 = arith.constant 0 : i32
        %dma_wait3A_682 = tpu.memref_slice %arg4[%add3A_672, %dma_wait3A_681] : memref<819200x128xf32, #tpu.memory_space<hbm>> -> memref<512x32xf32, #tpu.memory_space<hbm>>
        %dma_wait3A_683 = arith.constant 0 : i32
        %dma_wait3A_684 = arith.constant 0 : i32
        %dma_wait3A_685 = tpu.memref_slice %arg6[%dma_wait3A_673, %dma_wait3A_674, %dma_wait3A_683, %dma_wait3A_684] : memref<2x2x512x32xf32, #tpu.memory_space<vmem>> -> memref<1x1x512x32xf32, #tpu.memory_space<vmem>>
        %dma_wait3A_686 = tpu.memref_squeeze %dma_wait3A_685 : memref<1x1x512x32xf32, #tpu.memory_space<vmem>> -> memref<512x32xf32, #tpu.memory_space<vmem>>
        tpu.wait_dma2 semaphore(%arg11 : memref<!tpu.dma_semaphore, #tpu.memory_space<semaphore_mem>>) src(%dma_wait3A_686 : memref<512x32xf32, #tpu.memory_space<vmem>>) dst(%dma_wait3A_682 : memref<512x32xf32, #tpu.memory_space<hbm>>)
        %dma_wait3A_687 = arith.constant 0 : i32
        %dma_wait3A_688 = arith.constant 1 : i32
        %dma_wait3A_689 = arith.constant 0 : i32
        %dma_wait3A_690 = arith.constant 0 : i32
        %dma_wait3A_691 = tpu.memref_slice %arg6[%dma_wait3A_687, %dma_wait3A_688, %dma_wait3A_689, %dma_wait3A_690] : memref<2x2x512x32xf32, #tpu.memory_space<vmem>> -> memref<1x1x512x32xf32, #tpu.memory_space<vmem>>
        %dma_wait3A_692 = tpu.memref_squeeze %dma_wait3A_691 : memref<1x1x512x32xf32, #tpu.memory_space<vmem>> -> memref<512x32xf32, #tpu.memory_space<vmem>>
        %dma_wait3A_693 = arith.constant 32 : i32
        %dma_wait3A_694 = tpu.memref_slice %arg4[%add3A_672, %dma_wait3A_693] : memref<819200x128xf32, #tpu.memory_space<hbm>> -> memref<512x32xf32, #tpu.memory_space<hbm>>
        %dma_wait3A_695 = arith.constant 32 : i32
        %dma_wait3A_696 = tpu.memref_slice %arg4[%add3A_672, %dma_wait3A_695] : memref<819200x128xf32, #tpu.memory_space<hbm>> -> memref<512x32xf32, #tpu.memory_space<hbm>>
        %dma_wait3A_697 = arith.constant 0 : i32
        %dma_wait3A_698 = arith.constant 0 : i32
        %dma_wait3A_699 = tpu.memref_slice %arg6[%dma_wait3A_687, %dma_wait3A_688, %dma_wait3A_697, %dma_wait3A_698] : memref<2x2x512x32xf32, #tpu.memory_space<vmem>> -> memref<1x1x512x32xf32, #tpu.memory_space<vmem>>
        %dma_wait3A_700 = tpu.memref_squeeze %dma_wait3A_699 : memref<1x1x512x32xf32, #tpu.memory_space<vmem>> -> memref<512x32xf32, #tpu.memory_space<vmem>>
        tpu.wait_dma2 semaphore(%arg11 : memref<!tpu.dma_semaphore, #tpu.memory_space<semaphore_mem>>) src(%dma_wait3A_700 : memref<512x32xf32, #tpu.memory_space<vmem>>) dst(%dma_wait3A_696 : memref<512x32xf32, #tpu.memory_space<hbm>>)
      } else {
      }
      %dma_start3A_121 = arith.constant 0 : i32
      %dma_start3A_122 = arith.constant 0 : i32
      %dma_start3A_123 = arith.constant 0 : i32
      %dma_start3A_124 = arith.constant 0 : i32
      %dma_start3A_125 = arith.constant 0 : i32
      %dma_start3A_126 = arith.constant 0 : i32
      %dma_start3A_127 = tpu.memref_slice %arg6[%dma_start3A_123, %dma_start3A_124, %dma_start3A_125, %dma_start3A_126] : memref<2x2x512x32xf32, #tpu.memory_space<vmem>> -> memref<1x1x128x32xf32, #tpu.memory_space<vmem>>
      %dma_start3A_128 = tpu.memref_squeeze %dma_start3A_127 : memref<1x1x128x32xf32, #tpu.memory_space<vmem>> -> memref<128x32xf32, #tpu.memory_space<vmem>>
      %dma_start3A_129 = arith.constant 0 : i32
      %dma_start3A_130 = tpu.memref_slice %arg5[%dma_start3A_121, %dma_start3A_122, %dma_start3A_129] : memref<2x8x128xi32, #tpu.memory_space<vmem>> -> memref<1x1x128xi32, #tpu.memory_space<vmem>>
      %dma_start3A_131 = tpu.memref_squeeze %dma_start3A_130 : memref<1x1x128xi32, #tpu.memory_space<vmem>> -> memref<128xi32, #tpu.memory_space<vmem>>
      %dma_start3A_132 = arith.constant 0 : i32
      %dma_start3A_133 = arith.constant 0 : i32
      %dma_start3A_134 = tpu.memref_slice %arg2[%dma_start3A_132, %dma_start3A_133] : memref<100000x32xf32, #tpu.memory_space<hbm>> -> memref<100000x32xf32, #tpu.memory_space<hbm>>
      tpu.enqueue_indirect_dma source(%dma_start3A_134 : memref<100000x32xf32, #tpu.memory_space<hbm>>) target(%dma_start3A_128 : memref<128x32xf32, #tpu.memory_space<vmem>>) offsets(%dma_start3A_131 : memref<128xi32, #tpu.memory_space<vmem>>) semaphore(%arg9 : memref<!tpu.dma_semaphore, #tpu.memory_space<semaphore_mem>>)
      %dma_start3A_135 = arith.constant 0 : i32
      %dma_start3A_136 = arith.constant 1 : i32
      %dma_start3A_137 = arith.constant 0 : i32
      %dma_start3A_138 = arith.constant 0 : i32
      %dma_start3A_139 = arith.constant 128 : i32
      %dma_start3A_140 = arith.constant 0 : i32
      %dma_start3A_141 = tpu.memref_slice %arg6[%dma_start3A_137, %dma_start3A_138, %dma_start3A_139, %dma_start3A_140] : memref<2x2x512x32xf32, #tpu.memory_space<vmem>> -> memref<1x1x128x32xf32, #tpu.memory_space<vmem>>
      %dma_start3A_142 = tpu.memref_squeeze %dma_start3A_141 : memref<1x1x128x32xf32, #tpu.memory_space<vmem>> -> memref<128x32xf32, #tpu.memory_space<vmem>>
      %dma_start3A_143 = arith.constant 0 : i32
      %dma_start3A_144 = tpu.memref_slice %arg5[%dma_start3A_135, %dma_start3A_136, %dma_start3A_143] : memref<2x8x128xi32, #tpu.memory_space<vmem>> -> memref<1x1x128xi32, #tpu.memory_space<vmem>>
      %dma_start3A_145 = tpu.memref_squeeze %dma_start3A_144 : memref<1x1x128xi32, #tpu.memory_space<vmem>> -> memref<128xi32, #tpu.memory_space<vmem>>
      %dma_start3A_146 = arith.constant 0 : i32
      %dma_start3A_147 = arith.constant 0 : i32
      %dma_start3A_148 = tpu.memref_slice %arg2[%dma_start3A_146, %dma_start3A_147] : memref<100000x32xf32, #tpu.memory_space<hbm>> -> memref<100000x32xf32, #tpu.memory_space<hbm>>
      tpu.enqueue_indirect_dma source(%dma_start3A_148 : memref<100000x32xf32, #tpu.memory_space<hbm>>) target(%dma_start3A_142 : memref<128x32xf32, #tpu.memory_space<vmem>>) offsets(%dma_start3A_145 : memref<128xi32, #tpu.memory_space<vmem>>) semaphore(%arg9 : memref<!tpu.dma_semaphore, #tpu.memory_space<semaphore_mem>>)
      %dma_start3A_149 = arith.constant 0 : i32
      %dma_start3A_150 = arith.constant 2 : i32
      %dma_start3A_151 = arith.constant 0 : i32
      %dma_start3A_152 = arith.constant 0 : i32
      %dma_start3A_153 = arith.constant 256 : i32
      %dma_start3A_154 = arith.constant 0 : i32
      %dma_start3A_155 = tpu.memref_slice %arg6[%dma_start3A_151, %dma_start3A_152, %dma_start3A_153, %dma_start3A_154] : memref<2x2x512x32xf32, #tpu.memory_space<vmem>> -> memref<1x1x128x32xf32, #tpu.memory_space<vmem>>
      %dma_start3A_156 = tpu.memref_squeeze %dma_start3A_155 : memref<1x1x128x32xf32, #tpu.memory_space<vmem>> -> memref<128x32xf32, #tpu.memory_space<vmem>>
      %dma_start3A_157 = arith.constant 0 : i32
      %dma_start3A_158 = tpu.memref_slice %arg5[%dma_start3A_149, %dma_start3A_150, %dma_start3A_157] : memref<2x8x128xi32, #tpu.memory_space<vmem>> -> memref<1x1x128xi32, #tpu.memory_space<vmem>>
      %dma_start3A_159 = tpu.memref_squeeze %dma_start3A_158 : memref<1x1x128xi32, #tpu.memory_space<vmem>> -> memref<128xi32, #tpu.memory_space<vmem>>
      %dma_start3A_160 = arith.constant 0 : i32
      %dma_start3A_161 = arith.constant 0 : i32
      %dma_start3A_162 = tpu.memref_slice %arg2[%dma_start3A_160, %dma_start3A_161] : memref<100000x32xf32, #tpu.memory_space<hbm>> -> memref<100000x32xf32, #tpu.memory_space<hbm>>
      tpu.enqueue_indirect_dma source(%dma_start3A_162 : memref<100000x32xf32, #tpu.memory_space<hbm>>) target(%dma_start3A_156 : memref<128x32xf32, #tpu.memory_space<vmem>>) offsets(%dma_start3A_159 : memref<128xi32, #tpu.memory_space<vmem>>) semaphore(%arg9 : memref<!tpu.dma_semaphore, #tpu.memory_space<semaphore_mem>>)
      %dma_start3A_163 = arith.constant 0 : i32
      %dma_start3A_164 = arith.constant 3 : i32
      %dma_start3A_165 = arith.constant 0 : i32
      %dma_start3A_166 = arith.constant 0 : i32
      %dma_start3A_167 = arith.constant 384 : i32
      %dma_start3A_168 = arith.constant 0 : i32
      %dma_start3A_169 = tpu.memref_slice %arg6[%dma_start3A_165, %dma_start3A_166, %dma_start3A_167, %dma_start3A_168] : memref<2x2x512x32xf32, #tpu.memory_space<vmem>> -> memref<1x1x128x32xf32, #tpu.memory_space<vmem>>
      %dma_start3A_170 = tpu.memref_squeeze %dma_start3A_169 : memref<1x1x128x32xf32, #tpu.memory_space<vmem>> -> memref<128x32xf32, #tpu.memory_space<vmem>>
      %dma_start3A_171 = arith.constant 0 : i32
      %dma_start3A_172 = tpu.memref_slice %arg5[%dma_start3A_163, %dma_start3A_164, %dma_start3A_171] : memref<2x8x128xi32, #tpu.memory_space<vmem>> -> memref<1x1x128xi32, #tpu.memory_space<vmem>>
      %dma_start3A_173 = tpu.memref_squeeze %dma_start3A_172 : memref<1x1x128xi32, #tpu.memory_space<vmem>> -> memref<128xi32, #tpu.memory_space<vmem>>
      %dma_start3A_174 = arith.constant 0 : i32
      %dma_start3A_175 = arith.constant 0 : i32
      %dma_start3A_176 = tpu.memref_slice %arg2[%dma_start3A_174, %dma_start3A_175] : memref<100000x32xf32, #tpu.memory_space<hbm>> -> memref<100000x32xf32, #tpu.memory_space<hbm>>
      tpu.enqueue_indirect_dma source(%dma_start3A_176 : memref<100000x32xf32, #tpu.memory_space<hbm>>) target(%dma_start3A_170 : memref<128x32xf32, #tpu.memory_space<vmem>>) offsets(%dma_start3A_173 : memref<128xi32, #tpu.memory_space<vmem>>) semaphore(%arg9 : memref<!tpu.dma_semaphore, #tpu.memory_space<semaphore_mem>>)
      %dma_start3A_177 = arith.constant 0 : i32
      %dma_start3A_178 = arith.constant 4 : i32
      %dma_start3A_179 = arith.constant 0 : i32
      %dma_start3A_180 = arith.constant 1 : i32
      %dma_start3A_181 = arith.constant 0 : i32
      %dma_start3A_182 = arith.constant 0 : i32
      %dma_start3A_183 = tpu.memref_slice %arg6[%dma_start3A_179, %dma_start3A_180, %dma_start3A_181, %dma_start3A_182] : memref<2x2x512x32xf32, #tpu.memory_space<vmem>> -> memref<1x1x128x32xf32, #tpu.memory_space<vmem>>
      %dma_start3A_184 = tpu.memref_squeeze %dma_start3A_183 : memref<1x1x128x32xf32, #tpu.memory_space<vmem>> -> memref<128x32xf32, #tpu.memory_space<vmem>>
      %dma_start3A_185 = arith.constant 0 : i32
      %dma_start3A_186 = tpu.memref_slice %arg5[%dma_start3A_177, %dma_start3A_178, %dma_start3A_185] : memref<2x8x128xi32, #tpu.memory_space<vmem>> -> memref<1x1x128xi32, #tpu.memory_space<vmem>>
      %dma_start3A_187 = tpu.memref_squeeze %dma_start3A_186 : memref<1x1x128xi32, #tpu.memory_space<vmem>> -> memref<128xi32, #tpu.memory_space<vmem>>
      %dma_start3A_188 = arith.constant 0 : i32
      %dma_start3A_189 = arith.constant 0 : i32
      %dma_start3A_190 = tpu.memref_slice %arg2[%dma_start3A_188, %dma_start3A_189] : memref<100000x32xf32, #tpu.memory_space<hbm>> -> memref<100000x32xf32, #tpu.memory_space<hbm>>
      tpu.enqueue_indirect_dma source(%dma_start3A_190 : memref<100000x32xf32, #tpu.memory_space<hbm>>) target(%dma_start3A_184 : memref<128x32xf32, #tpu.memory_space<vmem>>) offsets(%dma_start3A_187 : memref<128xi32, #tpu.memory_space<vmem>>) semaphore(%arg9 : memref<!tpu.dma_semaphore, #tpu.memory_space<semaphore_mem>>)
      %dma_start3A_191 = arith.constant 0 : i32
      %dma_start3A_192 = arith.constant 5 : i32
      %dma_start3A_193 = arith.constant 0 : i32
      %dma_start3A_194 = arith.constant 1 : i32
      %dma_start3A_195 = arith.constant 128 : i32
      %dma_start3A_196 = arith.constant 0 : i32
      %dma_start3A_197 = tpu.memref_slice %arg6[%dma_start3A_193, %dma_start3A_194, %dma_start3A_195, %dma_start3A_196] : memref<2x2x512x32xf32, #tpu.memory_space<vmem>> -> memref<1x1x128x32xf32, #tpu.memory_space<vmem>>
      %dma_start3A_198 = tpu.memref_squeeze %dma_start3A_197 : memref<1x1x128x32xf32, #tpu.memory_space<vmem>> -> memref<128x32xf32, #tpu.memory_space<vmem>>
      %dma_start3A_199 = arith.constant 0 : i32
      %dma_start3A_200 = tpu.memref_slice %arg5[%dma_start3A_191, %dma_start3A_192, %dma_start3A_199] : memref<2x8x128xi32, #tpu.memory_space<vmem>> -> memref<1x1x128xi32, #tpu.memory_space<vmem>>
      %dma_start3A_201 = tpu.memref_squeeze %dma_start3A_200 : memref<1x1x128xi32, #tpu.memory_space<vmem>> -> memref<128xi32, #tpu.memory_space<vmem>>
      %dma_start3A_202 = arith.constant 0 : i32
      %dma_start3A_203 = arith.constant 0 : i32
      %dma_start3A_204 = tpu.memref_slice %arg2[%dma_start3A_202, %dma_start3A_203] : memref<100000x32xf32, #tpu.memory_space<hbm>> -> memref<100000x32xf32, #tpu.memory_space<hbm>>
      tpu.enqueue_indirect_dma source(%dma_start3A_204 : memref<100000x32xf32, #tpu.memory_space<hbm>>) target(%dma_start3A_198 : memref<128x32xf32, #tpu.memory_space<vmem>>) offsets(%dma_start3A_201 : memref<128xi32, #tpu.memory_space<vmem>>) semaphore(%arg9 : memref<!tpu.dma_semaphore, #tpu.memory_space<semaphore_mem>>)
      %dma_start3A_205 = arith.constant 0 : i32
      %dma_start3A_206 = arith.constant 6 : i32
      %dma_start3A_207 = arith.constant 0 : i32
      %dma_start3A_208 = arith.constant 1 : i32
      %dma_start3A_209 = arith.constant 256 : i32
      %dma_start3A_210 = arith.constant 0 : i32
      %dma_start3A_211 = tpu.memref_slice %arg6[%dma_start3A_207, %dma_start3A_208, %dma_start3A_209, %dma_start3A_210] : memref<2x2x512x32xf32, #tpu.memory_space<vmem>> -> memref<1x1x128x32xf32, #tpu.memory_space<vmem>>
      %dma_start3A_212 = tpu.memref_squeeze %dma_start3A_211 : memref<1x1x128x32xf32, #tpu.memory_space<vmem>> -> memref<128x32xf32, #tpu.memory_space<vmem>>
      %dma_start3A_213 = arith.constant 0 : i32
      %dma_start3A_214 = tpu.memref_slice %arg5[%dma_start3A_205, %dma_start3A_206, %dma_start3A_213] : memref<2x8x128xi32, #tpu.memory_space<vmem>> -> memref<1x1x128xi32, #tpu.memory_space<vmem>>
      %dma_start3A_215 = tpu.memref_squeeze %dma_start3A_214 : memref<1x1x128xi32, #tpu.memory_space<vmem>> -> memref<128xi32, #tpu.memory_space<vmem>>
      %dma_start3A_216 = arith.constant 0 : i32
      %dma_start3A_217 = arith.constant 0 : i32
      %dma_start3A_218 = tpu.memref_slice %arg2[%dma_start3A_216, %dma_start3A_217] : memref<100000x32xf32, #tpu.memory_space<hbm>> -> memref<100000x32xf32, #tpu.memory_space<hbm>>
      tpu.enqueue_indirect_dma source(%dma_start3A_218 : memref<100000x32xf32, #tpu.memory_space<hbm>>) target(%dma_start3A_212 : memref<128x32xf32, #tpu.memory_space<vmem>>) offsets(%dma_start3A_215 : memref<128xi32, #tpu.memory_space<vmem>>) semaphore(%arg9 : memref<!tpu.dma_semaphore, #tpu.memory_space<semaphore_mem>>)
      %dma_start3A_219 = arith.constant 0 : i32
      %dma_start3A_220 = arith.constant 7 : i32
      %dma_start3A_221 = arith.constant 0 : i32
      %dma_start3A_222 = arith.constant 1 : i32
      %dma_start3A_223 = arith.constant 384 : i32
      %dma_start3A_224 = arith.constant 0 : i32
      %dma_start3A_225 = tpu.memref_slice %arg6[%dma_start3A_221, %dma_start3A_222, %dma_start3A_223, %dma_start3A_224] : memref<2x2x512x32xf32, #tpu.memory_space<vmem>> -> memref<1x1x128x32xf32, #tpu.memory_space<vmem>>
      %dma_start3A_226 = tpu.memref_squeeze %dma_start3A_225 : memref<1x1x128x32xf32, #tpu.memory_space<vmem>> -> memref<128x32xf32, #tpu.memory_space<vmem>>
      %dma_start3A_227 = arith.constant 0 : i32
      %dma_start3A_228 = tpu.memref_slice %arg5[%dma_start3A_219, %dma_start3A_220, %dma_start3A_227] : memref<2x8x128xi32, #tpu.memory_space<vmem>> -> memref<1x1x128xi32, #tpu.memory_space<vmem>>
      %dma_start3A_229 = tpu.memref_squeeze %dma_start3A_228 : memref<1x1x128xi32, #tpu.memory_space<vmem>> -> memref<128xi32, #tpu.memory_space<vmem>>
      %dma_start3A_230 = arith.constant 0 : i32
      %dma_start3A_231 = arith.constant 0 : i32
      %dma_start3A_232 = tpu.memref_slice %arg2[%dma_start3A_230, %dma_start3A_231] : memref<100000x32xf32, #tpu.memory_space<hbm>> -> memref<100000x32xf32, #tpu.memory_space<hbm>>
      tpu.enqueue_indirect_dma source(%dma_start3A_232 : memref<100000x32xf32, #tpu.memory_space<hbm>>) target(%dma_start3A_226 : memref<128x32xf32, #tpu.memory_space<vmem>>) offsets(%dma_start3A_229 : memref<128xi32, #tpu.memory_space<vmem>>) semaphore(%arg9 : memref<!tpu.dma_semaphore, #tpu.memory_space<semaphore_mem>>)
      %add3A_233 = arith.constant 1 : i32
      %add3A_234 = arith.addi %mul3A_100, %add3A_233 : i32
      %mul3A_235 = arith.constant 8 : i32
      %mul3A_236 = arith.muli %add3A_234, %mul3A_235 : i32
      %add3A_237 = arith.addi %mul3A_2, %mul3A_236 : i32
      %dma_wait3A_238 = arith.constant 1 : i32
      %dma_wait3A_239 = arith.constant 0 : i32
      %dma_wait3A_240 = arith.constant 0 : i32
      %dma_wait3A_241 = tpu.memref_slice %arg5[%dma_wait3A_238, %dma_wait3A_239, %dma_wait3A_240] : memref<2x8x128xi32, #tpu.memory_space<vmem>> -> memref<1x8x128xi32, #tpu.memory_space<vmem>>
      %dma_wait3A_242 = tpu.memref_squeeze %dma_wait3A_241 : memref<1x8x128xi32, #tpu.memory_space<vmem>> -> memref<8x128xi32, #tpu.memory_space<vmem>>
      %dma_wait3A_243 = arith.constant 0 : i32
      %dma_wait3A_244 = tpu.memref_slice %arg3[%add3A_237, %dma_wait3A_243] : memref<25600x128xi32, #tpu.memory_space<hbm>> -> memref<8x128xi32, #tpu.memory_space<hbm>>
      %dma_wait3A_245 = arith.constant 0 : i32
      %dma_wait3A_246 = arith.constant 0 : i32
      %dma_wait3A_247 = tpu.memref_slice %arg5[%dma_wait3A_238, %dma_wait3A_245, %dma_wait3A_246] : memref<2x8x128xi32, #tpu.memory_space<vmem>> -> memref<1x8x128xi32, #tpu.memory_space<vmem>>
      %dma_wait3A_248 = tpu.memref_squeeze %dma_wait3A_247 : memref<1x8x128xi32, #tpu.memory_space<vmem>> -> memref<8x128xi32, #tpu.memory_space<vmem>>
      %dma_wait3A_249 = arith.constant 0 : i32
      %dma_wait3A_250 = tpu.memref_slice %arg3[%add3A_237, %dma_wait3A_249] : memref<25600x128xi32, #tpu.memory_space<hbm>> -> memref<8x128xi32, #tpu.memory_space<hbm>>
      tpu.wait_dma2 semaphore(%arg8 : memref<!tpu.dma_semaphore, #tpu.memory_space<semaphore_mem>>) src(%dma_wait3A_250 : memref<8x128xi32, #tpu.memory_space<hbm>>) dst(%dma_wait3A_248 : memref<8x128xi32, #tpu.memory_space<vmem>>)
      %ge3A_251 = arith.constant 2 : i32
      %ge3A_252 = arith.cmpi sge, %add3A_234, %ge3A_251 : i32
      %convert_element_type3A_253 = arith.extui %ge3A_252 : i1 to i32
      %cond3A_254 = arith.constant 0 : i32
      %cond3A_255 = arith.cmpi ne, %convert_element_type3A_253, %cond3A_254 : i32
      scf.if %cond3A_255 {
        %add3A_671 = arith.constant 0 : i32
        %add3A_672 = arith.addi %mul3A_4, %add3A_671 : i32
        %dma_wait3A_673 = arith.constant 1 : i32
        %dma_wait3A_674 = arith.constant 0 : i32
        %dma_wait3A_675 = arith.constant 0 : i32
        %dma_wait3A_676 = arith.constant 0 : i32
        %dma_wait3A_677 = tpu.memref_slice %arg6[%dma_wait3A_673, %dma_wait3A_674, %dma_wait3A_675, %dma_wait3A_676] : memref<2x2x512x32xf32, #tpu.memory_space<vmem>> -> memref<1x1x512x32xf32, #tpu.memory_space<vmem>>
        %dma_wait3A_678 = tpu.memref_squeeze %dma_wait3A_677 : memref<1x1x512x32xf32, #tpu.memory_space<vmem>> -> memref<512x32xf32, #tpu.memory_space<vmem>>
        %dma_wait3A_679 = arith.constant 64 : i32
        %dma_wait3A_680 = tpu.memref_slice %arg4[%add3A_672, %dma_wait3A_679] : memref<819200x128xf32, #tpu.memory_space<hbm>> -> memref<512x32xf32, #tpu.memory_space<hbm>>
        %dma_wait3A_681 = arith.constant 64 : i32
        %dma_wait3A_682 = tpu.memref_slice %arg4[%add3A_672, %dma_wait3A_681] : memref<819200x128xf32, #tpu.memory_space<hbm>> -> memref<512x32xf32, #tpu.memory_space<hbm>>
        %dma_wait3A_683 = arith.constant 0 : i32
        %dma_wait3A_684 = arith.constant 0 : i32
        %dma_wait3A_685 = tpu.memref_slice %arg6[%dma_wait3A_673, %dma_wait3A_674, %dma_wait3A_683, %dma_wait3A_684] : memref<2x2x512x32xf32, #tpu.memory_space<vmem>> -> memref<1x1x512x32xf32, #tpu.memory_space<vmem>>
        %dma_wait3A_686 = tpu.memref_squeeze %dma_wait3A_685 : memref<1x1x512x32xf32, #tpu.memory_space<vmem>> -> memref<512x32xf32, #tpu.memory_space<vmem>>
        tpu.wait_dma2 semaphore(%arg12 : memref<!tpu.dma_semaphore, #tpu.memory_space<semaphore_mem>>) src(%dma_wait3A_686 : memref<512x32xf32, #tpu.memory_space<vmem>>) dst(%dma_wait3A_682 : memref<512x32xf32, #tpu.memory_space<hbm>>)
        %dma_wait3A_687 = arith.constant 1 : i32
        %dma_wait3A_688 = arith.constant 1 : i32
        %dma_wait3A_689 = arith.constant 0 : i32
        %dma_wait3A_690 = arith.constant 0 : i32
        %dma_wait3A_691 = tpu.memref_slice %arg6[%dma_wait3A_687, %dma_wait3A_688, %dma_wait3A_689, %dma_wait3A_690] : memref<2x2x512x32xf32, #tpu.memory_space<vmem>> -> memref<1x1x512x32xf32, #tpu.memory_space<vmem>>
        %dma_wait3A_692 = tpu.memref_squeeze %dma_wait3A_691 : memref<1x1x512x32xf32, #tpu.memory_space<vmem>> -> memref<512x32xf32, #tpu.memory_space<vmem>>
        %dma_wait3A_693 = arith.constant 96 : i32
        %dma_wait3A_694 = tpu.memref_slice %arg4[%add3A_672, %dma_wait3A_693] : memref<819200x128xf32, #tpu.memory_space<hbm>> -> memref<512x32xf32, #tpu.memory_space<hbm>>
        %dma_wait3A_695 = arith.constant 96 : i32
        %dma_wait3A_696 = tpu.memref_slice %arg4[%add3A_672, %dma_wait3A_695] : memref<819200x128xf32, #tpu.memory_space<hbm>> -> memref<512x32xf32, #tpu.memory_space<hbm>>
        %dma_wait3A_697 = arith.constant 0 : i32
        %dma_wait3A_698 = arith.constant 0 : i32
        %dma_wait3A_699 = tpu.memref_slice %arg6[%dma_wait3A_687, %dma_wait3A_688, %dma_wait3A_697, %dma_wait3A_698] : memref<2x2x512x32xf32, #tpu.memory_space<vmem>> -> memref<1x1x512x32xf32, #tpu.memory_space<vmem>>
        %dma_wait3A_700 = tpu.memref_squeeze %dma_wait3A_699 : memref<1x1x512x32xf32, #tpu.memory_space<vmem>> -> memref<512x32xf32, #tpu.memory_space<vmem>>
        tpu.wait_dma2 semaphore(%arg12 : memref<!tpu.dma_semaphore, #tpu.memory_space<semaphore_mem>>) src(%dma_wait3A_700 : memref<512x32xf32, #tpu.memory_space<vmem>>) dst(%dma_wait3A_696 : memref<512x32xf32, #tpu.memory_space<hbm>>)
      } else {
      }
      %dma_start3A_256 = arith.constant 1 : i32
      %dma_start3A_257 = arith.constant 0 : i32
      %dma_start3A_258 = arith.constant 1 : i32
      %dma_start3A_259 = arith.constant 0 : i32
      %dma_start3A_260 = arith.constant 0 : i32
      %dma_start3A_261 = arith.constant 0 : i32
      %dma_start3A_262 = tpu.memref_slice %arg6[%dma_start3A_258, %dma_start3A_259, %dma_start3A_260, %dma_start3A_261] : memref<2x2x512x32xf32, #tpu.memory_space<vmem>> -> memref<1x1x128x32xf32, #tpu.memory_space<vmem>>
      %dma_start3A_263 = tpu.memref_squeeze %dma_start3A_262 : memref<1x1x128x32xf32, #tpu.memory_space<vmem>> -> memref<128x32xf32, #tpu.memory_space<vmem>>
      %dma_start3A_264 = arith.constant 0 : i32
      %dma_start3A_265 = tpu.memref_slice %arg5[%dma_start3A_256, %dma_start3A_257, %dma_start3A_264] : memref<2x8x128xi32, #tpu.memory_space<vmem>> -> memref<1x1x128xi32, #tpu.memory_space<vmem>>
      %dma_start3A_266 = tpu.memref_squeeze %dma_start3A_265 : memref<1x1x128xi32, #tpu.memory_space<vmem>> -> memref<128xi32, #tpu.memory_space<vmem>>
      %dma_start3A_267 = arith.constant 0 : i32
      %dma_start3A_268 = arith.constant 0 : i32
      %dma_start3A_269 = tpu.memref_slice %arg2[%dma_start3A_267, %dma_start3A_268] : memref<100000x32xf32, #tpu.memory_space<hbm>> -> memref<100000x32xf32, #tpu.memory_space<hbm>>
      tpu.enqueue_indirect_dma source(%dma_start3A_269 : memref<100000x32xf32, #tpu.memory_space<hbm>>) target(%dma_start3A_263 : memref<128x32xf32, #tpu.memory_space<vmem>>) offsets(%dma_start3A_266 : memref<128xi32, #tpu.memory_space<vmem>>) semaphore(%arg10 : memref<!tpu.dma_semaphore, #tpu.memory_space<semaphore_mem>>)
      %dma_start3A_270 = arith.constant 1 : i32
      %dma_start3A_271 = arith.constant 1 : i32
      %dma_start3A_272 = arith.constant 1 : i32
      %dma_start3A_273 = arith.constant 0 : i32
      %dma_start3A_274 = arith.constant 128 : i32
      %dma_start3A_275 = arith.constant 0 : i32
      %dma_start3A_276 = tpu.memref_slice %arg6[%dma_start3A_272, %dma_start3A_273, %dma_start3A_274, %dma_start3A_275] : memref<2x2x512x32xf32, #tpu.memory_space<vmem>> -> memref<1x1x128x32xf32, #tpu.memory_space<vmem>>
      %dma_start3A_277 = tpu.memref_squeeze %dma_start3A_276 : memref<1x1x128x32xf32, #tpu.memory_space<vmem>> -> memref<128x32xf32, #tpu.memory_space<vmem>>
      %dma_start3A_278 = arith.constant 0 : i32
      %dma_start3A_279 = tpu.memref_slice %arg5[%dma_start3A_270, %dma_start3A_271, %dma_start3A_278] : memref<2x8x128xi32, #tpu.memory_space<vmem>> -> memref<1x1x128xi32, #tpu.memory_space<vmem>>
      %dma_start3A_280 = tpu.memref_squeeze %dma_start3A_279 : memref<1x1x128xi32, #tpu.memory_space<vmem>> -> memref<128xi32, #tpu.memory_space<vmem>>
      %dma_start3A_281 = arith.constant 0 : i32
      %dma_start3A_282 = arith.constant 0 : i32
      %dma_start3A_283 = tpu.memref_slice %arg2[%dma_start3A_281, %dma_start3A_282] : memref<100000x32xf32, #tpu.memory_space<hbm>> -> memref<100000x32xf32, #tpu.memory_space<hbm>>
      tpu.enqueue_indirect_dma source(%dma_start3A_283 : memref<100000x32xf32, #tpu.memory_space<hbm>>) target(%dma_start3A_277 : memref<128x32xf32, #tpu.memory_space<vmem>>) offsets(%dma_start3A_280 : memref<128xi32, #tpu.memory_space<vmem>>) semaphore(%arg10 : memref<!tpu.dma_semaphore, #tpu.memory_space<semaphore_mem>>)
      %dma_start3A_284 = arith.constant 1 : i32
      %dma_start3A_285 = arith.constant 2 : i32
      %dma_start3A_286 = arith.constant 1 : i32
      %dma_start3A_287 = arith.constant 0 : i32
      %dma_start3A_288 = arith.constant 256 : i32
      %dma_start3A_289 = arith.constant 0 : i32
      %dma_start3A_290 = tpu.memref_slice %arg6[%dma_start3A_286, %dma_start3A_287, %dma_start3A_288, %dma_start3A_289] : memref<2x2x512x32xf32, #tpu.memory_space<vmem>> -> memref<1x1x128x32xf32, #tpu.memory_space<vmem>>
      %dma_start3A_291 = tpu.memref_squeeze %dma_start3A_290 : memref<1x1x128x32xf32, #tpu.memory_space<vmem>> -> memref<128x32xf32, #tpu.memory_space<vmem>>
      %dma_start3A_292 = arith.constant 0 : i32
      %dma_start3A_293 = tpu.memref_slice %arg5[%dma_start3A_284, %dma_start3A_285, %dma_start3A_292] : memref<2x8x128xi32, #tpu.memory_space<vmem>> -> memref<1x1x128xi32, #tpu.memory_space<vmem>>
      %dma_start3A_294 = tpu.memref_squeeze %dma_start3A_293 : memref<1x1x128xi32, #tpu.memory_space<vmem>> -> memref<128xi32, #tpu.memory_space<vmem>>
      %dma_start3A_295 = arith.constant 0 : i32
      %dma_start3A_296 = arith.constant 0 : i32
      %dma_start3A_297 = tpu.memref_slice %arg2[%dma_start3A_295, %dma_start3A_296] : memref<100000x32xf32, #tpu.memory_space<hbm>> -> memref<100000x32xf32, #tpu.memory_space<hbm>>
      tpu.enqueue_indirect_dma source(%dma_start3A_297 : memref<100000x32xf32, #tpu.memory_space<hbm>>) target(%dma_start3A_291 : memref<128x32xf32, #tpu.memory_space<vmem>>) offsets(%dma_start3A_294 : memref<128xi32, #tpu.memory_space<vmem>>) semaphore(%arg10 : memref<!tpu.dma_semaphore, #tpu.memory_space<semaphore_mem>>)
      %dma_start3A_298 = arith.constant 1 : i32
      %dma_start3A_299 = arith.constant 3 : i32
      %dma_start3A_300 = arith.constant 1 : i32
      %dma_start3A_301 = arith.constant 0 : i32
      %dma_start3A_302 = arith.constant 384 : i32
      %dma_start3A_303 = arith.constant 0 : i32
      %dma_start3A_304 = tpu.memref_slice %arg6[%dma_start3A_300, %dma_start3A_301, %dma_start3A_302, %dma_start3A_303] : memref<2x2x512x32xf32, #tpu.memory_space<vmem>> -> memref<1x1x128x32xf32, #tpu.memory_space<vmem>>
      %dma_start3A_305 = tpu.memref_squeeze %dma_start3A_304 : memref<1x1x128x32xf32, #tpu.memory_space<vmem>> -> memref<128x32xf32, #tpu.memory_space<vmem>>
      %dma_start3A_306 = arith.constant 0 : i32
      %dma_start3A_307 = tpu.memref_slice %arg5[%dma_start3A_298, %dma_start3A_299, %dma_start3A_306] : memref<2x8x128xi32, #tpu.memory_space<vmem>> -> memref<1x1x128xi32, #tpu.memory_space<vmem>>
      %dma_start3A_308 = tpu.memref_squeeze %dma_start3A_307 : memref<1x1x128xi32, #tpu.memory_space<vmem>> -> memref<128xi32, #tpu.memory_space<vmem>>
      %dma_start3A_309 = arith.constant 0 : i32
      %dma_start3A_310 = arith.constant 0 : i32
      %dma_start3A_311 = tpu.memref_slice %arg2[%dma_start3A_309, %dma_start3A_310] : memref<100000x32xf32, #tpu.memory_space<hbm>> -> memref<100000x32xf32, #tpu.memory_space<hbm>>
      tpu.enqueue_indirect_dma source(%dma_start3A_311 : memref<100000x32xf32, #tpu.memory_space<hbm>>) target(%dma_start3A_305 : memref<128x32xf32, #tpu.memory_space<vmem>>) offsets(%dma_start3A_308 : memref<128xi32, #tpu.memory_space<vmem>>) semaphore(%arg10 : memref<!tpu.dma_semaphore, #tpu.memory_space<semaphore_mem>>)
      %dma_start3A_312 = arith.constant 1 : i32
      %dma_start3A_313 = arith.constant 4 : i32
      %dma_start3A_314 = arith.constant 1 : i32
      %dma_start3A_315 = arith.constant 1 : i32
      %dma_start3A_316 = arith.constant 0 : i32
      %dma_start3A_317 = arith.constant 0 : i32
      %dma_start3A_318 = tpu.memref_slice %arg6[%dma_start3A_314, %dma_start3A_315, %dma_start3A_316, %dma_start3A_317] : memref<2x2x512x32xf32, #tpu.memory_space<vmem>> -> memref<1x1x128x32xf32, #tpu.memory_space<vmem>>
      %dma_start3A_319 = tpu.memref_squeeze %dma_start3A_318 : memref<1x1x128x32xf32, #tpu.memory_space<vmem>> -> memref<128x32xf32, #tpu.memory_space<vmem>>
      %dma_start3A_320 = arith.constant 0 : i32
      %dma_start3A_321 = tpu.memref_slice %arg5[%dma_start3A_312, %dma_start3A_313, %dma_start3A_320] : memref<2x8x128xi32, #tpu.memory_space<vmem>> -> memref<1x1x128xi32, #tpu.memory_space<vmem>>
      %dma_start3A_322 = tpu.memref_squeeze %dma_start3A_321 : memref<1x1x128xi32, #tpu.memory_space<vmem>> -> memref<128xi32, #tpu.memory_space<vmem>>
      %dma_start3A_323 = arith.constant 0 : i32
      %dma_start3A_324 = arith.constant 0 : i32
      %dma_start3A_325 = tpu.memref_slice %arg2[%dma_start3A_323, %dma_start3A_324] : memref<100000x32xf32, #tpu.memory_space<hbm>> -> memref<100000x32xf32, #tpu.memory_space<hbm>>
      tpu.enqueue_indirect_dma source(%dma_start3A_325 : memref<100000x32xf32, #tpu.memory_space<hbm>>) target(%dma_start3A_319 : memref<128x32xf32, #tpu.memory_space<vmem>>) offsets(%dma_start3A_322 : memref<128xi32, #tpu.memory_space<vmem>>) semaphore(%arg10 : memref<!tpu.dma_semaphore, #tpu.memory_space<semaphore_mem>>)
      %dma_start3A_326 = arith.constant 1 : i32
      %dma_start3A_327 = arith.constant 5 : i32
      %dma_start3A_328 = arith.constant 1 : i32
      %dma_start3A_329 = arith.constant 1 : i32
      %dma_start3A_330 = arith.constant 128 : i32
      %dma_start3A_331 = arith.constant 0 : i32
      %dma_start3A_332 = tpu.memref_slice %arg6[%dma_start3A_328, %dma_start3A_329, %dma_start3A_330, %dma_start3A_331] : memref<2x2x512x32xf32, #tpu.memory_space<vmem>> -> memref<1x1x128x32xf32, #tpu.memory_space<vmem>>
      %dma_start3A_333 = tpu.memref_squeeze %dma_start3A_332 : memref<1x1x128x32xf32, #tpu.memory_space<vmem>> -> memref<128x32xf32, #tpu.memory_space<vmem>>
      %dma_start3A_334 = arith.constant 0 : i32
      %dma_start3A_335 = tpu.memref_slice %arg5[%dma_start3A_326, %dma_start3A_327, %dma_start3A_334] : memref<2x8x128xi32, #tpu.memory_space<vmem>> -> memref<1x1x128xi32, #tpu.memory_space<vmem>>
      %dma_start3A_336 = tpu.memref_squeeze %dma_start3A_335 : memref<1x1x128xi32, #tpu.memory_space<vmem>> -> memref<128xi32, #tpu.memory_space<vmem>>
      %dma_start3A_337 = arith.constant 0 : i32
      %dma_start3A_338 = arith.constant 0 : i32
      %dma_start3A_339 = tpu.memref_slice %arg2[%dma_start3A_337, %dma_start3A_338] : memref<100000x32xf32, #tpu.memory_space<hbm>> -> memref<100000x32xf32, #tpu.memory_space<hbm>>
      tpu.enqueue_indirect_dma source(%dma_start3A_339 : memref<100000x32xf32, #tpu.memory_space<hbm>>) target(%dma_start3A_333 : memref<128x32xf32, #tpu.memory_space<vmem>>) offsets(%dma_start3A_336 : memref<128xi32, #tpu.memory_space<vmem>>) semaphore(%arg10 : memref<!tpu.dma_semaphore, #tpu.memory_space<semaphore_mem>>)
      %dma_start3A_340 = arith.constant 1 : i32
      %dma_start3A_341 = arith.constant 6 : i32
      %dma_start3A_342 = arith.constant 1 : i32
      %dma_start3A_343 = arith.constant 1 : i32
      %dma_start3A_344 = arith.constant 256 : i32
      %dma_start3A_345 = arith.constant 0 : i32
      %dma_start3A_346 = tpu.memref_slice %arg6[%dma_start3A_342, %dma_start3A_343, %dma_start3A_344, %dma_start3A_345] : memref<2x2x512x32xf32, #tpu.memory_space<vmem>> -> memref<1x1x128x32xf32, #tpu.memory_space<vmem>>
      %dma_start3A_347 = tpu.memref_squeeze %dma_start3A_346 : memref<1x1x128x32xf32, #tpu.memory_space<vmem>> -> memref<128x32xf32, #tpu.memory_space<vmem>>
      %dma_start3A_348 = arith.constant 0 : i32
      %dma_start3A_349 = tpu.memref_slice %arg5[%dma_start3A_340, %dma_start3A_341, %dma_start3A_348] : memref<2x8x128xi32, #tpu.memory_space<vmem>> -> memref<1x1x128xi32, #tpu.memory_space<vmem>>
      %dma_start3A_350 = tpu.memref_squeeze %dma_start3A_349 : memref<1x1x128xi32, #tpu.memory_space<vmem>> -> memref<128xi32, #tpu.memory_space<vmem>>
      %dma_start3A_351 = arith.constant 0 : i32
      %dma_start3A_352 = arith.constant 0 : i32
      %dma_start3A_353 = tpu.memref_slice %arg2[%dma_start3A_351, %dma_start3A_352] : memref<100000x32xf32, #tpu.memory_space<hbm>> -> memref<100000x32xf32, #tpu.memory_space<hbm>>
      tpu.enqueue_indirect_dma source(%dma_start3A_353 : memref<100000x32xf32, #tpu.memory_space<hbm>>) target(%dma_start3A_347 : memref<128x32xf32, #tpu.memory_space<vmem>>) offsets(%dma_start3A_350 : memref<128xi32, #tpu.memory_space<vmem>>) semaphore(%arg10 : memref<!tpu.dma_semaphore, #tpu.memory_space<semaphore_mem>>)
      %dma_start3A_354 = arith.constant 1 : i32
      %dma_start3A_355 = arith.constant 7 : i32
      %dma_start3A_356 = arith.constant 1 : i32
      %dma_start3A_357 = arith.constant 1 : i32
      %dma_start3A_358 = arith.constant 384 : i32
      %dma_start3A_359 = arith.constant 0 : i32
      %dma_start3A_360 = tpu.memref_slice %arg6[%dma_start3A_356, %dma_start3A_357, %dma_start3A_358, %dma_start3A_359] : memref<2x2x512x32xf32, #tpu.memory_space<vmem>> -> memref<1x1x128x32xf32, #tpu.memory_space<vmem>>
      %dma_start3A_361 = tpu.memref_squeeze %dma_start3A_360 : memref<1x1x128x32xf32, #tpu.memory_space<vmem>> -> memref<128x32xf32, #tpu.memory_space<vmem>>
      %dma_start3A_362 = arith.constant 0 : i32
      %dma_start3A_363 = tpu.memref_slice %arg5[%dma_start3A_354, %dma_start3A_355, %dma_start3A_362] : memref<2x8x128xi32, #tpu.memory_space<vmem>> -> memref<1x1x128xi32, #tpu.memory_space<vmem>>
      %dma_start3A_364 = tpu.memref_squeeze %dma_start3A_363 : memref<1x1x128xi32, #tpu.memory_space<vmem>> -> memref<128xi32, #tpu.memory_space<vmem>>
      %dma_start3A_365 = arith.constant 0 : i32
      %dma_start3A_366 = arith.constant 0 : i32
      %dma_start3A_367 = tpu.memref_slice %arg2[%dma_start3A_365, %dma_start3A_366] : memref<100000x32xf32, #tpu.memory_space<hbm>> -> memref<100000x32xf32, #tpu.memory_space<hbm>>
      tpu.enqueue_indirect_dma source(%dma_start3A_367 : memref<100000x32xf32, #tpu.memory_space<hbm>>) target(%dma_start3A_361 : memref<128x32xf32, #tpu.memory_space<vmem>>) offsets(%dma_start3A_364 : memref<128xi32, #tpu.memory_space<vmem>>) semaphore(%arg10 : memref<!tpu.dma_semaphore, #tpu.memory_space<semaphore_mem>>)
      %add3A_368 = arith.constant 0 : i32
      %add3A_369 = arith.addi %mul3A_100, %add3A_368 : i32
      %dma_wait3A_370 = arith.constant 0 : i32
      %dma_wait3A_371 = arith.constant 0 : i32
      %dma_wait3A_372 = arith.constant 0 : i32
      %dma_wait3A_373 = arith.constant 0 : i32
      %dma_wait3A_374 = arith.constant 0 : i32
      %dma_wait3A_375 = arith.constant 0 : i32
      %dma_wait3A_376 = tpu.memref_slice %arg6[%dma_wait3A_372, %dma_wait3A_373, %dma_wait3A_374, %dma_wait3A_375] : memref<2x2x512x32xf32, #tpu.memory_space<vmem>> -> memref<1x1x128x32xf32, #tpu.memory_space<vmem>>
      %dma_wait3A_377 = tpu.memref_squeeze %dma_wait3A_376 : memref<1x1x128x32xf32, #tpu.memory_space<vmem>> -> memref<128x32xf32, #tpu.memory_space<vmem>>
      %dma_wait3A_378 = arith.constant 0 : i32
      %dma_wait3A_379 = tpu.memref_slice %arg5[%dma_wait3A_370, %dma_wait3A_371, %dma_wait3A_378] : memref<2x8x128xi32, #tpu.memory_space<vmem>> -> memref<1x1x128xi32, #tpu.memory_space<vmem>>
      %dma_wait3A_380 = tpu.memref_squeeze %dma_wait3A_379 : memref<1x1x128xi32, #tpu.memory_space<vmem>> -> memref<128xi32, #tpu.memory_space<vmem>>
      %dma_wait3A_381 = arith.constant 0 : i32
      %dma_wait3A_382 = arith.constant 0 : i32
      %dma_wait3A_383 = tpu.memref_slice %arg2[%dma_wait3A_381, %dma_wait3A_382] : memref<100000x32xf32, #tpu.memory_space<hbm>> -> memref<100000x32xf32, #tpu.memory_space<hbm>>
      tpu.wait_indirect_dma semaphore(%arg9 : memref<!tpu.dma_semaphore, #tpu.memory_space<semaphore_mem>>) src(%dma_wait3A_383 : memref<100000x32xf32, #tpu.memory_space<hbm>>) dst(%dma_wait3A_377 : memref<128x32xf32, #tpu.memory_space<vmem>>)
      %dma_wait3A_384 = arith.constant 0 : i32
      %dma_wait3A_385 = arith.constant 1 : i32
      %dma_wait3A_386 = arith.constant 0 : i32
      %dma_wait3A_387 = arith.constant 0 : i32
      %dma_wait3A_388 = arith.constant 128 : i32
      %dma_wait3A_389 = arith.constant 0 : i32
      %dma_wait3A_390 = tpu.memref_slice %arg6[%dma_wait3A_386, %dma_wait3A_387, %dma_wait3A_388, %dma_wait3A_389] : memref<2x2x512x32xf32, #tpu.memory_space<vmem>> -> memref<1x1x128x32xf32, #tpu.memory_space<vmem>>
      %dma_wait3A_391 = tpu.memref_squeeze %dma_wait3A_390 : memref<1x1x128x32xf32, #tpu.memory_space<vmem>> -> memref<128x32xf32, #tpu.memory_space<vmem>>
      %dma_wait3A_392 = arith.constant 0 : i32
      %dma_wait3A_393 = tpu.memref_slice %arg5[%dma_wait3A_384, %dma_wait3A_385, %dma_wait3A_392] : memref<2x8x128xi32, #tpu.memory_space<vmem>> -> memref<1x1x128xi32, #tpu.memory_space<vmem>>
      %dma_wait3A_394 = tpu.memref_squeeze %dma_wait3A_393 : memref<1x1x128xi32, #tpu.memory_space<vmem>> -> memref<128xi32, #tpu.memory_space<vmem>>
      %dma_wait3A_395 = arith.constant 0 : i32
      %dma_wait3A_396 = arith.constant 0 : i32
      %dma_wait3A_397 = tpu.memref_slice %arg2[%dma_wait3A_395, %dma_wait3A_396] : memref<100000x32xf32, #tpu.memory_space<hbm>> -> memref<100000x32xf32, #tpu.memory_space<hbm>>
      tpu.wait_indirect_dma semaphore(%arg9 : memref<!tpu.dma_semaphore, #tpu.memory_space<semaphore_mem>>) src(%dma_wait3A_397 : memref<100000x32xf32, #tpu.memory_space<hbm>>) dst(%dma_wait3A_391 : memref<128x32xf32, #tpu.memory_space<vmem>>)
      %dma_wait3A_398 = arith.constant 0 : i32
      %dma_wait3A_399 = arith.constant 2 : i32
      %dma_wait3A_400 = arith.constant 0 : i32
      %dma_wait3A_401 = arith.constant 0 : i32
      %dma_wait3A_402 = arith.constant 256 : i32
      %dma_wait3A_403 = arith.constant 0 : i32
      %dma_wait3A_404 = tpu.memref_slice %arg6[%dma_wait3A_400, %dma_wait3A_401, %dma_wait3A_402, %dma_wait3A_403] : memref<2x2x512x32xf32, #tpu.memory_space<vmem>> -> memref<1x1x128x32xf32, #tpu.memory_space<vmem>>
      %dma_wait3A_405 = tpu.memref_squeeze %dma_wait3A_404 : memref<1x1x128x32xf32, #tpu.memory_space<vmem>> -> memref<128x32xf32, #tpu.memory_space<vmem>>
      %dma_wait3A_406 = arith.constant 0 : i32
      %dma_wait3A_407 = tpu.memref_slice %arg5[%dma_wait3A_398, %dma_wait3A_399, %dma_wait3A_406] : memref<2x8x128xi32, #tpu.memory_space<vmem>> -> memref<1x1x128xi32, #tpu.memory_space<vmem>>
      %dma_wait3A_408 = tpu.memref_squeeze %dma_wait3A_407 : memref<1x1x128xi32, #tpu.memory_space<vmem>> -> memref<128xi32, #tpu.memory_space<vmem>>
      %dma_wait3A_409 = arith.constant 0 : i32
      %dma_wait3A_410 = arith.constant 0 : i32
      %dma_wait3A_411 = tpu.memref_slice %arg2[%dma_wait3A_409, %dma_wait3A_410] : memref<100000x32xf32, #tpu.memory_space<hbm>> -> memref<100000x32xf32, #tpu.memory_space<hbm>>
      tpu.wait_indirect_dma semaphore(%arg9 : memref<!tpu.dma_semaphore, #tpu.memory_space<semaphore_mem>>) src(%dma_wait3A_411 : memref<100000x32xf32, #tpu.memory_space<hbm>>) dst(%dma_wait3A_405 : memref<128x32xf32, #tpu.memory_space<vmem>>)
      %dma_wait3A_412 = arith.constant 0 : i32
      %dma_wait3A_413 = arith.constant 3 : i32
      %dma_wait3A_414 = arith.constant 0 : i32
      %dma_wait3A_415 = arith.constant 0 : i32
      %dma_wait3A_416 = arith.constant 384 : i32
      %dma_wait3A_417 = arith.constant 0 : i32
      %dma_wait3A_418 = tpu.memref_slice %arg6[%dma_wait3A_414, %dma_wait3A_415, %dma_wait3A_416, %dma_wait3A_417] : memref<2x2x512x32xf32, #tpu.memory_space<vmem>> -> memref<1x1x128x32xf32, #tpu.memory_space<vmem>>
      %dma_wait3A_419 = tpu.memref_squeeze %dma_wait3A_418 : memref<1x1x128x32xf32, #tpu.memory_space<vmem>> -> memref<128x32xf32, #tpu.memory_space<vmem>>
      %dma_wait3A_420 = arith.constant 0 : i32
      %dma_wait3A_421 = tpu.memref_slice %arg5[%dma_wait3A_412, %dma_wait3A_413, %dma_wait3A_420] : memref<2x8x128xi32, #tpu.memory_space<vmem>> -> memref<1x1x128xi32, #tpu.memory_space<vmem>>
      %dma_wait3A_422 = tpu.memref_squeeze %dma_wait3A_421 : memref<1x1x128xi32, #tpu.memory_space<vmem>> -> memref<128xi32, #tpu.memory_space<vmem>>
      %dma_wait3A_423 = arith.constant 0 : i32
      %dma_wait3A_424 = arith.constant 0 : i32
      %dma_wait3A_425 = tpu.memref_slice %arg2[%dma_wait3A_423, %dma_wait3A_424] : memref<100000x32xf32, #tpu.memory_space<hbm>> -> memref<100000x32xf32, #tpu.memory_space<hbm>>
      tpu.wait_indirect_dma semaphore(%arg9 : memref<!tpu.dma_semaphore, #tpu.memory_space<semaphore_mem>>) src(%dma_wait3A_425 : memref<100000x32xf32, #tpu.memory_space<hbm>>) dst(%dma_wait3A_419 : memref<128x32xf32, #tpu.memory_space<vmem>>)
      %dma_wait3A_426 = arith.constant 0 : i32
      %dma_wait3A_427 = arith.constant 4 : i32
      %dma_wait3A_428 = arith.constant 0 : i32
      %dma_wait3A_429 = arith.constant 1 : i32
      %dma_wait3A_430 = arith.constant 0 : i32
      %dma_wait3A_431 = arith.constant 0 : i32
      %dma_wait3A_432 = tpu.memref_slice %arg6[%dma_wait3A_428, %dma_wait3A_429, %dma_wait3A_430, %dma_wait3A_431] : memref<2x2x512x32xf32, #tpu.memory_space<vmem>> -> memref<1x1x128x32xf32, #tpu.memory_space<vmem>>
      %dma_wait3A_433 = tpu.memref_squeeze %dma_wait3A_432 : memref<1x1x128x32xf32, #tpu.memory_space<vmem>> -> memref<128x32xf32, #tpu.memory_space<vmem>>
      %dma_wait3A_434 = arith.constant 0 : i32
      %dma_wait3A_435 = tpu.memref_slice %arg5[%dma_wait3A_426, %dma_wait3A_427, %dma_wait3A_434] : memref<2x8x128xi32, #tpu.memory_space<vmem>> -> memref<1x1x128xi32, #tpu.memory_space<vmem>>
      %dma_wait3A_436 = tpu.memref_squeeze %dma_wait3A_435 : memref<1x1x128xi32, #tpu.memory_space<vmem>> -> memref<128xi32, #tpu.memory_space<vmem>>
      %dma_wait3A_437 = arith.constant 0 : i32
      %dma_wait3A_438 = arith.constant 0 : i32
      %dma_wait3A_439 = tpu.memref_slice %arg2[%dma_wait3A_437, %dma_wait3A_438] : memref<100000x32xf32, #tpu.memory_space<hbm>> -> memref<100000x32xf32, #tpu.memory_space<hbm>>
      tpu.wait_indirect_dma semaphore(%arg9 : memref<!tpu.dma_semaphore, #tpu.memory_space<semaphore_mem>>) src(%dma_wait3A_439 : memref<100000x32xf32, #tpu.memory_space<hbm>>) dst(%dma_wait3A_433 : memref<128x32xf32, #tpu.memory_space<vmem>>)
      %dma_wait3A_440 = arith.constant 0 : i32
      %dma_wait3A_441 = arith.constant 5 : i32
      %dma_wait3A_442 = arith.constant 0 : i32
      %dma_wait3A_443 = arith.constant 1 : i32
      %dma_wait3A_444 = arith.constant 128 : i32
      %dma_wait3A_445 = arith.constant 0 : i32
      %dma_wait3A_446 = tpu.memref_slice %arg6[%dma_wait3A_442, %dma_wait3A_443, %dma_wait3A_444, %dma_wait3A_445] : memref<2x2x512x32xf32, #tpu.memory_space<vmem>> -> memref<1x1x128x32xf32, #tpu.memory_space<vmem>>
      %dma_wait3A_447 = tpu.memref_squeeze %dma_wait3A_446 : memref<1x1x128x32xf32, #tpu.memory_space<vmem>> -> memref<128x32xf32, #tpu.memory_space<vmem>>
      %dma_wait3A_448 = arith.constant 0 : i32
      %dma_wait3A_449 = tpu.memref_slice %arg5[%dma_wait3A_440, %dma_wait3A_441, %dma_wait3A_448] : memref<2x8x128xi32, #tpu.memory_space<vmem>> -> memref<1x1x128xi32, #tpu.memory_space<vmem>>
      %dma_wait3A_450 = tpu.memref_squeeze %dma_wait3A_449 : memref<1x1x128xi32, #tpu.memory_space<vmem>> -> memref<128xi32, #tpu.memory_space<vmem>>
      %dma_wait3A_451 = arith.constant 0 : i32
      %dma_wait3A_452 = arith.constant 0 : i32
      %dma_wait3A_453 = tpu.memref_slice %arg2[%dma_wait3A_451, %dma_wait3A_452] : memref<100000x32xf32, #tpu.memory_space<hbm>> -> memref<100000x32xf32, #tpu.memory_space<hbm>>
      tpu.wait_indirect_dma semaphore(%arg9 : memref<!tpu.dma_semaphore, #tpu.memory_space<semaphore_mem>>) src(%dma_wait3A_453 : memref<100000x32xf32, #tpu.memory_space<hbm>>) dst(%dma_wait3A_447 : memref<128x32xf32, #tpu.memory_space<vmem>>)
      %dma_wait3A_454 = arith.constant 0 : i32
      %dma_wait3A_455 = arith.constant 6 : i32
      %dma_wait3A_456 = arith.constant 0 : i32
      %dma_wait3A_457 = arith.constant 1 : i32
      %dma_wait3A_458 = arith.constant 256 : i32
      %dma_wait3A_459 = arith.constant 0 : i32
      %dma_wait3A_460 = tpu.memref_slice %arg6[%dma_wait3A_456, %dma_wait3A_457, %dma_wait3A_458, %dma_wait3A_459] : memref<2x2x512x32xf32, #tpu.memory_space<vmem>> -> memref<1x1x128x32xf32, #tpu.memory_space<vmem>>
      %dma_wait3A_461 = tpu.memref_squeeze %dma_wait3A_460 : memref<1x1x128x32xf32, #tpu.memory_space<vmem>> -> memref<128x32xf32, #tpu.memory_space<vmem>>
      %dma_wait3A_462 = arith.constant 0 : i32
      %dma_wait3A_463 = tpu.memref_slice %arg5[%dma_wait3A_454, %dma_wait3A_455, %dma_wait3A_462] : memref<2x8x128xi32, #tpu.memory_space<vmem>> -> memref<1x1x128xi32, #tpu.memory_space<vmem>>
      %dma_wait3A_464 = tpu.memref_squeeze %dma_wait3A_463 : memref<1x1x128xi32, #tpu.memory_space<vmem>> -> memref<128xi32, #tpu.memory_space<vmem>>
      %dma_wait3A_465 = arith.constant 0 : i32
      %dma_wait3A_466 = arith.constant 0 : i32
      %dma_wait3A_467 = tpu.memref_slice %arg2[%dma_wait3A_465, %dma_wait3A_466] : memref<100000x32xf32, #tpu.memory_space<hbm>> -> memref<100000x32xf32, #tpu.memory_space<hbm>>
      tpu.wait_indirect_dma semaphore(%arg9 : memref<!tpu.dma_semaphore, #tpu.memory_space<semaphore_mem>>) src(%dma_wait3A_467 : memref<100000x32xf32, #tpu.memory_space<hbm>>) dst(%dma_wait3A_461 : memref<128x32xf32, #tpu.memory_space<vmem>>)
      %dma_wait3A_468 = arith.constant 0 : i32
      %dma_wait3A_469 = arith.constant 7 : i32
      %dma_wait3A_470 = arith.constant 0 : i32
      %dma_wait3A_471 = arith.constant 1 : i32
      %dma_wait3A_472 = arith.constant 384 : i32
      %dma_wait3A_473 = arith.constant 0 : i32
      %dma_wait3A_474 = tpu.memref_slice %arg6[%dma_wait3A_470, %dma_wait3A_471, %dma_wait3A_472, %dma_wait3A_473] : memref<2x2x512x32xf32, #tpu.memory_space<vmem>> -> memref<1x1x128x32xf32, #tpu.memory_space<vmem>>
      %dma_wait3A_475 = tpu.memref_squeeze %dma_wait3A_474 : memref<1x1x128x32xf32, #tpu.memory_space<vmem>> -> memref<128x32xf32, #tpu.memory_space<vmem>>
      %dma_wait3A_476 = arith.constant 0 : i32
      %dma_wait3A_477 = tpu.memref_slice %arg5[%dma_wait3A_468, %dma_wait3A_469, %dma_wait3A_476] : memref<2x8x128xi32, #tpu.memory_space<vmem>> -> memref<1x1x128xi32, #tpu.memory_space<vmem>>
      %dma_wait3A_478 = tpu.memref_squeeze %dma_wait3A_477 : memref<1x1x128xi32, #tpu.memory_space<vmem>> -> memref<128xi32, #tpu.memory_space<vmem>>
      %dma_wait3A_479 = arith.constant 0 : i32
      %dma_wait3A_480 = arith.constant 0 : i32
      %dma_wait3A_481 = tpu.memref_slice %arg2[%dma_wait3A_479, %dma_wait3A_480] : memref<100000x32xf32, #tpu.memory_space<hbm>> -> memref<100000x32xf32, #tpu.memory_space<hbm>>
      tpu.wait_indirect_dma semaphore(%arg9 : memref<!tpu.dma_semaphore, #tpu.memory_space<semaphore_mem>>) src(%dma_wait3A_481 : memref<100000x32xf32, #tpu.memory_space<hbm>>) dst(%dma_wait3A_475 : memref<128x32xf32, #tpu.memory_space<vmem>>)
      %add3A_482 = arith.constant 2 : i32
      %add3A_483 = arith.addi %add3A_369, %add3A_482 : i32
      %lt3A = arith.constant 100 : i32
      %lt3A_484 = arith.cmpi slt, %add3A_483, %lt3A : i32
      %convert_element_type3A_485 = arith.extui %lt3A_484 : i1 to i32
      %cond3A_486 = arith.constant 0 : i32
      %cond3A_487 = arith.cmpi ne, %convert_element_type3A_485, %cond3A_486 : i32
      scf.if %cond3A_487 {
        %add3A_671 = arith.constant 2 : i32
        %add3A_672 = arith.addi %add3A_369, %add3A_671 : i32
        %mul3A_673 = arith.constant 8 : i32
        %mul3A_674 = arith.muli %add3A_672, %mul3A_673 : i32
        %add3A_675 = arith.addi %mul3A_2, %mul3A_674 : i32
        %dma_start3A_676 = arith.constant 0 : i32
        %dma_start3A_677 = arith.constant 0 : i32
        %dma_start3A_678 = arith.constant 0 : i32
        %dma_start3A_679 = tpu.memref_slice %arg5[%dma_start3A_676, %dma_start3A_677, %dma_start3A_678] : memref<2x8x128xi32, #tpu.memory_space<vmem>> -> memref<1x8x128xi32, #tpu.memory_space<vmem>>
        %dma_start3A_680 = tpu.memref_squeeze %dma_start3A_679 : memref<1x8x128xi32, #tpu.memory_space<vmem>> -> memref<8x128xi32, #tpu.memory_space<vmem>>
        %dma_start3A_681 = arith.constant 0 : i32
        %dma_start3A_682 = tpu.memref_slice %arg3[%add3A_675, %dma_start3A_681] : memref<25600x128xi32, #tpu.memory_space<hbm>> -> memref<8x128xi32, #tpu.memory_space<hbm>>
        %dma_start3A_683 = arith.constant 0 : i32
        %dma_start3A_684 = arith.constant 0 : i32
        %dma_start3A_685 = tpu.memref_slice %arg5[%dma_start3A_676, %dma_start3A_683, %dma_start3A_684] : memref<2x8x128xi32, #tpu.memory_space<vmem>> -> memref<1x8x128xi32, #tpu.memory_space<vmem>>
        %dma_start3A_686 = tpu.memref_squeeze %dma_start3A_685 : memref<1x8x128xi32, #tpu.memory_space<vmem>> -> memref<8x128xi32, #tpu.memory_space<vmem>>
        %dma_start3A_687 = arith.constant 0 : i32
        %dma_start3A_688 = tpu.memref_slice %arg3[%add3A_675, %dma_start3A_687] : memref<25600x128xi32, #tpu.memory_space<hbm>> -> memref<8x128xi32, #tpu.memory_space<hbm>>
        tpu.enqueue_dma source(%dma_start3A_688 : memref<8x128xi32, #tpu.memory_space<hbm>>) target(%dma_start3A_686 : memref<8x128xi32, #tpu.memory_space<vmem>>) target_semaphore(%arg7 : memref<!tpu.dma_semaphore, #tpu.memory_space<semaphore_mem>>)
      } else {
      }
      %mul3A_488 = arith.constant 512 : i32
      %mul3A_489 = arith.muli %scan3A_98, %mul3A_488 : i32
      %add3A_490 = arith.addi %mul3A_4, %mul3A_489 : i32
      %dma_start3A_491 = arith.constant 0 : i32
      %dma_start3A_492 = arith.constant 0 : i32
      %dma_start3A_493 = arith.constant 0 : i32
      %dma_start3A_494 = arith.constant 0 : i32
      %dma_start3A_495 = tpu.memref_slice %arg6[%dma_start3A_491, %dma_start3A_492, %dma_start3A_493, %dma_start3A_494] : memref<2x2x512x32xf32, #tpu.memory_space<vmem>> -> memref<1x1x512x32xf32, #tpu.memory_space<vmem>>
      %dma_start3A_496 = tpu.memref_squeeze %dma_start3A_495 : memref<1x1x512x32xf32, #tpu.memory_space<vmem>> -> memref<512x32xf32, #tpu.memory_space<vmem>>
      %dma_start3A_497 = arith.constant 0 : i32
      %dma_start3A_498 = tpu.memref_slice %arg4[%add3A_490, %dma_start3A_497] : memref<819200x128xf32, #tpu.memory_space<hbm>> -> memref<512x32xf32, #tpu.memory_space<hbm>>
      %dma_start3A_499 = arith.constant 0 : i32
      %dma_start3A_500 = tpu.memref_slice %arg4[%add3A_490, %dma_start3A_499] : memref<819200x128xf32, #tpu.memory_space<hbm>> -> memref<512x32xf32, #tpu.memory_space<hbm>>
      %dma_start3A_501 = arith.constant 0 : i32
      %dma_start3A_502 = arith.constant 0 : i32
      %dma_start3A_503 = tpu.memref_slice %arg6[%dma_start3A_491, %dma_start3A_492, %dma_start3A_501, %dma_start3A_502] : memref<2x2x512x32xf32, #tpu.memory_space<vmem>> -> memref<1x1x512x32xf32, #tpu.memory_space<vmem>>
      %dma_start3A_504 = tpu.memref_squeeze %dma_start3A_503 : memref<1x1x512x32xf32, #tpu.memory_space<vmem>> -> memref<512x32xf32, #tpu.memory_space<vmem>>
      tpu.enqueue_dma source(%dma_start3A_504 : memref<512x32xf32, #tpu.memory_space<vmem>>) target(%dma_start3A_500 : memref<512x32xf32, #tpu.memory_space<hbm>>) target_semaphore(%arg11 : memref<!tpu.dma_semaphore, #tpu.memory_space<semaphore_mem>>)
      %dma_start3A_505 = arith.constant 0 : i32
      %dma_start3A_506 = arith.constant 1 : i32
      %dma_start3A_507 = arith.constant 0 : i32
      %dma_start3A_508 = arith.constant 0 : i32
      %dma_start3A_509 = tpu.memref_slice %arg6[%dma_start3A_505, %dma_start3A_506, %dma_start3A_507, %dma_start3A_508] : memref<2x2x512x32xf32, #tpu.memory_space<vmem>> -> memref<1x1x512x32xf32, #tpu.memory_space<vmem>>
      %dma_start3A_510 = tpu.memref_squeeze %dma_start3A_509 : memref<1x1x512x32xf32, #tpu.memory_space<vmem>> -> memref<512x32xf32, #tpu.memory_space<vmem>>
      %dma_start3A_511 = arith.constant 32 : i32
      %dma_start3A_512 = tpu.memref_slice %arg4[%add3A_490, %dma_start3A_511] : memref<819200x128xf32, #tpu.memory_space<hbm>> -> memref<512x32xf32, #tpu.memory_space<hbm>>
      %dma_start3A_513 = arith.constant 32 : i32
      %dma_start3A_514 = tpu.memref_slice %arg4[%add3A_490, %dma_start3A_513] : memref<819200x128xf32, #tpu.memory_space<hbm>> -> memref<512x32xf32, #tpu.memory_space<hbm>>
      %dma_start3A_515 = arith.constant 0 : i32
      %dma_start3A_516 = arith.constant 0 : i32
      %dma_start3A_517 = tpu.memref_slice %arg6[%dma_start3A_505, %dma_start3A_506, %dma_start3A_515, %dma_start3A_516] : memref<2x2x512x32xf32, #tpu.memory_space<vmem>> -> memref<1x1x512x32xf32, #tpu.memory_space<vmem>>
      %dma_start3A_518 = tpu.memref_squeeze %dma_start3A_517 : memref<1x1x512x32xf32, #tpu.memory_space<vmem>> -> memref<512x32xf32, #tpu.memory_space<vmem>>
      tpu.enqueue_dma source(%dma_start3A_518 : memref<512x32xf32, #tpu.memory_space<vmem>>) target(%dma_start3A_514 : memref<512x32xf32, #tpu.memory_space<hbm>>) target_semaphore(%arg11 : memref<!tpu.dma_semaphore, #tpu.memory_space<semaphore_mem>>)
      %add3A_519 = arith.constant 1 : i32
      %add3A_520 = arith.addi %mul3A_100, %add3A_519 : i32
      %dma_wait3A_521 = arith.constant 1 : i32
      %dma_wait3A_522 = arith.constant 0 : i32
      %dma_wait3A_523 = arith.constant 1 : i32
      %dma_wait3A_524 = arith.constant 0 : i32
      %dma_wait3A_525 = arith.constant 0 : i32
      %dma_wait3A_526 = arith.constant 0 : i32
      %dma_wait3A_527 = tpu.memref_slice %arg6[%dma_wait3A_523, %dma_wait3A_524, %dma_wait3A_525, %dma_wait3A_526] : memref<2x2x512x32xf32, #tpu.memory_space<vmem>> -> memref<1x1x128x32xf32, #tpu.memory_space<vmem>>
      %dma_wait3A_528 = tpu.memref_squeeze %dma_wait3A_527 : memref<1x1x128x32xf32, #tpu.memory_space<vmem>> -> memref<128x32xf32, #tpu.memory_space<vmem>>
      %dma_wait3A_529 = arith.constant 0 : i32
      %dma_wait3A_530 = tpu.memref_slice %arg5[%dma_wait3A_521, %dma_wait3A_522, %dma_wait3A_529] : memref<2x8x128xi32, #tpu.memory_space<vmem>> -> memref<1x1x128xi32, #tpu.memory_space<vmem>>
      %dma_wait3A_531 = tpu.memref_squeeze %dma_wait3A_530 : memref<1x1x128xi32, #tpu.memory_space<vmem>> -> memref<128xi32, #tpu.memory_space<vmem>>
      %dma_wait3A_532 = arith.constant 0 : i32
      %dma_wait3A_533 = arith.constant 0 : i32
      %dma_wait3A_534 = tpu.memref_slice %arg2[%dma_wait3A_532, %dma_wait3A_533] : memref<100000x32xf32, #tpu.memory_space<hbm>> -> memref<100000x32xf32, #tpu.memory_space<hbm>>
      tpu.wait_indirect_dma semaphore(%arg10 : memref<!tpu.dma_semaphore, #tpu.memory_space<semaphore_mem>>) src(%dma_wait3A_534 : memref<100000x32xf32, #tpu.memory_space<hbm>>) dst(%dma_wait3A_528 : memref<128x32xf32, #tpu.memory_space<vmem>>)
      %dma_wait3A_535 = arith.constant 1 : i32
      %dma_wait3A_536 = arith.constant 1 : i32
      %dma_wait3A_537 = arith.constant 1 : i32
      %dma_wait3A_538 = arith.constant 0 : i32
      %dma_wait3A_539 = arith.constant 128 : i32
      %dma_wait3A_540 = arith.constant 0 : i32
      %dma_wait3A_541 = tpu.memref_slice %arg6[%dma_wait3A_537, %dma_wait3A_538, %dma_wait3A_539, %dma_wait3A_540] : memref<2x2x512x32xf32, #tpu.memory_space<vmem>> -> memref<1x1x128x32xf32, #tpu.memory_space<vmem>>
      %dma_wait3A_542 = tpu.memref_squeeze %dma_wait3A_541 : memref<1x1x128x32xf32, #tpu.memory_space<vmem>> -> memref<128x32xf32, #tpu.memory_space<vmem>>
      %dma_wait3A_543 = arith.constant 0 : i32
      %dma_wait3A_544 = tpu.memref_slice %arg5[%dma_wait3A_535, %dma_wait3A_536, %dma_wait3A_543] : memref<2x8x128xi32, #tpu.memory_space<vmem>> -> memref<1x1x128xi32, #tpu.memory_space<vmem>>
      %dma_wait3A_545 = tpu.memref_squeeze %dma_wait3A_544 : memref<1x1x128xi32, #tpu.memory_space<vmem>> -> memref<128xi32, #tpu.memory_space<vmem>>
      %dma_wait3A_546 = arith.constant 0 : i32
      %dma_wait3A_547 = arith.constant 0 : i32
      %dma_wait3A_548 = tpu.memref_slice %arg2[%dma_wait3A_546, %dma_wait3A_547] : memref<100000x32xf32, #tpu.memory_space<hbm>> -> memref<100000x32xf32, #tpu.memory_space<hbm>>
      tpu.wait_indirect_dma semaphore(%arg10 : memref<!tpu.dma_semaphore, #tpu.memory_space<semaphore_mem>>) src(%dma_wait3A_548 : memref<100000x32xf32, #tpu.memory_space<hbm>>) dst(%dma_wait3A_542 : memref<128x32xf32, #tpu.memory_space<vmem>>)
      %dma_wait3A_549 = arith.constant 1 : i32
      %dma_wait3A_550 = arith.constant 2 : i32
      %dma_wait3A_551 = arith.constant 1 : i32
      %dma_wait3A_552 = arith.constant 0 : i32
      %dma_wait3A_553 = arith.constant 256 : i32
      %dma_wait3A_554 = arith.constant 0 : i32
      %dma_wait3A_555 = tpu.memref_slice %arg6[%dma_wait3A_551, %dma_wait3A_552, %dma_wait3A_553, %dma_wait3A_554] : memref<2x2x512x32xf32, #tpu.memory_space<vmem>> -> memref<1x1x128x32xf32, #tpu.memory_space<vmem>>
      %dma_wait3A_556 = tpu.memref_squeeze %dma_wait3A_555 : memref<1x1x128x32xf32, #tpu.memory_space<vmem>> -> memref<128x32xf32, #tpu.memory_space<vmem>>
      %dma_wait3A_557 = arith.constant 0 : i32
      %dma_wait3A_558 = tpu.memref_slice %arg5[%dma_wait3A_549, %dma_wait3A_550, %dma_wait3A_557] : memref<2x8x128xi32, #tpu.memory_space<vmem>> -> memref<1x1x128xi32, #tpu.memory_space<vmem>>
      %dma_wait3A_559 = tpu.memref_squeeze %dma_wait3A_558 : memref<1x1x128xi32, #tpu.memory_space<vmem>> -> memref<128xi32, #tpu.memory_space<vmem>>
      %dma_wait3A_560 = arith.constant 0 : i32
      %dma_wait3A_561 = arith.constant 0 : i32
      %dma_wait3A_562 = tpu.memref_slice %arg2[%dma_wait3A_560, %dma_wait3A_561] : memref<100000x32xf32, #tpu.memory_space<hbm>> -> memref<100000x32xf32, #tpu.memory_space<hbm>>
      tpu.wait_indirect_dma semaphore(%arg10 : memref<!tpu.dma_semaphore, #tpu.memory_space<semaphore_mem>>) src(%dma_wait3A_562 : memref<100000x32xf32, #tpu.memory_space<hbm>>) dst(%dma_wait3A_556 : memref<128x32xf32, #tpu.memory_space<vmem>>)
      %dma_wait3A_563 = arith.constant 1 : i32
      %dma_wait3A_564 = arith.constant 3 : i32
      %dma_wait3A_565 = arith.constant 1 : i32
      %dma_wait3A_566 = arith.constant 0 : i32
      %dma_wait3A_567 = arith.constant 384 : i32
      %dma_wait3A_568 = arith.constant 0 : i32
      %dma_wait3A_569 = tpu.memref_slice %arg6[%dma_wait3A_565, %dma_wait3A_566, %dma_wait3A_567, %dma_wait3A_568] : memref<2x2x512x32xf32, #tpu.memory_space<vmem>> -> memref<1x1x128x32xf32, #tpu.memory_space<vmem>>
      %dma_wait3A_570 = tpu.memref_squeeze %dma_wait3A_569 : memref<1x1x128x32xf32, #tpu.memory_space<vmem>> -> memref<128x32xf32, #tpu.memory_space<vmem>>
      %dma_wait3A_571 = arith.constant 0 : i32
      %dma_wait3A_572 = tpu.memref_slice %arg5[%dma_wait3A_563, %dma_wait3A_564, %dma_wait3A_571] : memref<2x8x128xi32, #tpu.memory_space<vmem>> -> memref<1x1x128xi32, #tpu.memory_space<vmem>>
      %dma_wait3A_573 = tpu.memref_squeeze %dma_wait3A_572 : memref<1x1x128xi32, #tpu.memory_space<vmem>> -> memref<128xi32, #tpu.memory_space<vmem>>
      %dma_wait3A_574 = arith.constant 0 : i32
      %dma_wait3A_575 = arith.constant 0 : i32
      %dma_wait3A_576 = tpu.memref_slice %arg2[%dma_wait3A_574, %dma_wait3A_575] : memref<100000x32xf32, #tpu.memory_space<hbm>> -> memref<100000x32xf32, #tpu.memory_space<hbm>>
      tpu.wait_indirect_dma semaphore(%arg10 : memref<!tpu.dma_semaphore, #tpu.memory_space<semaphore_mem>>) src(%dma_wait3A_576 : memref<100000x32xf32, #tpu.memory_space<hbm>>) dst(%dma_wait3A_570 : memref<128x32xf32, #tpu.memory_space<vmem>>)
      %dma_wait3A_577 = arith.constant 1 : i32
      %dma_wait3A_578 = arith.constant 4 : i32
      %dma_wait3A_579 = arith.constant 1 : i32
      %dma_wait3A_580 = arith.constant 1 : i32
      %dma_wait3A_581 = arith.constant 0 : i32
      %dma_wait3A_582 = arith.constant 0 : i32
      %dma_wait3A_583 = tpu.memref_slice %arg6[%dma_wait3A_579, %dma_wait3A_580, %dma_wait3A_581, %dma_wait3A_582] : memref<2x2x512x32xf32, #tpu.memory_space<vmem>> -> memref<1x1x128x32xf32, #tpu.memory_space<vmem>>
      %dma_wait3A_584 = tpu.memref_squeeze %dma_wait3A_583 : memref<1x1x128x32xf32, #tpu.memory_space<vmem>> -> memref<128x32xf32, #tpu.memory_space<vmem>>
      %dma_wait3A_585 = arith.constant 0 : i32
      %dma_wait3A_586 = tpu.memref_slice %arg5[%dma_wait3A_577, %dma_wait3A_578, %dma_wait3A_585] : memref<2x8x128xi32, #tpu.memory_space<vmem>> -> memref<1x1x128xi32, #tpu.memory_space<vmem>>
      %dma_wait3A_587 = tpu.memref_squeeze %dma_wait3A_586 : memref<1x1x128xi32, #tpu.memory_space<vmem>> -> memref<128xi32, #tpu.memory_space<vmem>>
      %dma_wait3A_588 = arith.constant 0 : i32
      %dma_wait3A_589 = arith.constant 0 : i32
      %dma_wait3A_590 = tpu.memref_slice %arg2[%dma_wait3A_588, %dma_wait3A_589] : memref<100000x32xf32, #tpu.memory_space<hbm>> -> memref<100000x32xf32, #tpu.memory_space<hbm>>
      tpu.wait_indirect_dma semaphore(%arg10 : memref<!tpu.dma_semaphore, #tpu.memory_space<semaphore_mem>>) src(%dma_wait3A_590 : memref<100000x32xf32, #tpu.memory_space<hbm>>) dst(%dma_wait3A_584 : memref<128x32xf32, #tpu.memory_space<vmem>>)
      %dma_wait3A_591 = arith.constant 1 : i32
      %dma_wait3A_592 = arith.constant 5 : i32
      %dma_wait3A_593 = arith.constant 1 : i32
      %dma_wait3A_594 = arith.constant 1 : i32
      %dma_wait3A_595 = arith.constant 128 : i32
      %dma_wait3A_596 = arith.constant 0 : i32
      %dma_wait3A_597 = tpu.memref_slice %arg6[%dma_wait3A_593, %dma_wait3A_594, %dma_wait3A_595, %dma_wait3A_596] : memref<2x2x512x32xf32, #tpu.memory_space<vmem>> -> memref<1x1x128x32xf32, #tpu.memory_space<vmem>>
      %dma_wait3A_598 = tpu.memref_squeeze %dma_wait3A_597 : memref<1x1x128x32xf32, #tpu.memory_space<vmem>> -> memref<128x32xf32, #tpu.memory_space<vmem>>
      %dma_wait3A_599 = arith.constant 0 : i32
      %dma_wait3A_600 = tpu.memref_slice %arg5[%dma_wait3A_591, %dma_wait3A_592, %dma_wait3A_599] : memref<2x8x128xi32, #tpu.memory_space<vmem>> -> memref<1x1x128xi32, #tpu.memory_space<vmem>>
      %dma_wait3A_601 = tpu.memref_squeeze %dma_wait3A_600 : memref<1x1x128xi32, #tpu.memory_space<vmem>> -> memref<128xi32, #tpu.memory_space<vmem>>
      %dma_wait3A_602 = arith.constant 0 : i32
      %dma_wait3A_603 = arith.constant 0 : i32
      %dma_wait3A_604 = tpu.memref_slice %arg2[%dma_wait3A_602, %dma_wait3A_603] : memref<100000x32xf32, #tpu.memory_space<hbm>> -> memref<100000x32xf32, #tpu.memory_space<hbm>>
      tpu.wait_indirect_dma semaphore(%arg10 : memref<!tpu.dma_semaphore, #tpu.memory_space<semaphore_mem>>) src(%dma_wait3A_604 : memref<100000x32xf32, #tpu.memory_space<hbm>>) dst(%dma_wait3A_598 : memref<128x32xf32, #tpu.memory_space<vmem>>)
      %dma_wait3A_605 = arith.constant 1 : i32
      %dma_wait3A_606 = arith.constant 6 : i32
      %dma_wait3A_607 = arith.constant 1 : i32
      %dma_wait3A_608 = arith.constant 1 : i32
      %dma_wait3A_609 = arith.constant 256 : i32
      %dma_wait3A_610 = arith.constant 0 : i32
      %dma_wait3A_611 = tpu.memref_slice %arg6[%dma_wait3A_607, %dma_wait3A_608, %dma_wait3A_609, %dma_wait3A_610] : memref<2x2x512x32xf32, #tpu.memory_space<vmem>> -> memref<1x1x128x32xf32, #tpu.memory_space<vmem>>
      %dma_wait3A_612 = tpu.memref_squeeze %dma_wait3A_611 : memref<1x1x128x32xf32, #tpu.memory_space<vmem>> -> memref<128x32xf32, #tpu.memory_space<vmem>>
      %dma_wait3A_613 = arith.constant 0 : i32
      %dma_wait3A_614 = tpu.memref_slice %arg5[%dma_wait3A_605, %dma_wait3A_606, %dma_wait3A_613] : memref<2x8x128xi32, #tpu.memory_space<vmem>> -> memref<1x1x128xi32, #tpu.memory_space<vmem>>
      %dma_wait3A_615 = tpu.memref_squeeze %dma_wait3A_614 : memref<1x1x128xi32, #tpu.memory_space<vmem>> -> memref<128xi32, #tpu.memory_space<vmem>>
      %dma_wait3A_616 = arith.constant 0 : i32
      %dma_wait3A_617 = arith.constant 0 : i32
      %dma_wait3A_618 = tpu.memref_slice %arg2[%dma_wait3A_616, %dma_wait3A_617] : memref<100000x32xf32, #tpu.memory_space<hbm>> -> memref<100000x32xf32, #tpu.memory_space<hbm>>
      tpu.wait_indirect_dma semaphore(%arg10 : memref<!tpu.dma_semaphore, #tpu.memory_space<semaphore_mem>>) src(%dma_wait3A_618 : memref<100000x32xf32, #tpu.memory_space<hbm>>) dst(%dma_wait3A_612 : memref<128x32xf32, #tpu.memory_space<vmem>>)
      %dma_wait3A_619 = arith.constant 1 : i32
      %dma_wait3A_620 = arith.constant 7 : i32
      %dma_wait3A_621 = arith.constant 1 : i32
      %dma_wait3A_622 = arith.constant 1 : i32
      %dma_wait3A_623 = arith.constant 384 : i32
      %dma_wait3A_624 = arith.constant 0 : i32
      %dma_wait3A_625 = tpu.memref_slice %arg6[%dma_wait3A_621, %dma_wait3A_622, %dma_wait3A_623, %dma_wait3A_624] : memref<2x2x512x32xf32, #tpu.memory_space<vmem>> -> memref<1x1x128x32xf32, #tpu.memory_space<vmem>>
      %dma_wait3A_626 = tpu.memref_squeeze %dma_wait3A_625 : memref<1x1x128x32xf32, #tpu.memory_space<vmem>> -> memref<128x32xf32, #tpu.memory_space<vmem>>
      %dma_wait3A_627 = arith.constant 0 : i32
      %dma_wait3A_628 = tpu.memref_slice %arg5[%dma_wait3A_619, %dma_wait3A_620, %dma_wait3A_627] : memref<2x8x128xi32, #tpu.memory_space<vmem>> -> memref<1x1x128xi32, #tpu.memory_space<vmem>>
      %dma_wait3A_629 = tpu.memref_squeeze %dma_wait3A_628 : memref<1x1x128xi32, #tpu.memory_space<vmem>> -> memref<128xi32, #tpu.memory_space<vmem>>
      %dma_wait3A_630 = arith.constant 0 : i32
      %dma_wait3A_631 = arith.constant 0 : i32
      %dma_wait3A_632 = tpu.memref_slice %arg2[%dma_wait3A_630, %dma_wait3A_631] : memref<100000x32xf32, #tpu.memory_space<hbm>> -> memref<100000x32xf32, #tpu.memory_space<hbm>>
      tpu.wait_indirect_dma semaphore(%arg10 : memref<!tpu.dma_semaphore, #tpu.memory_space<semaphore_mem>>) src(%dma_wait3A_632 : memref<100000x32xf32, #tpu.memory_space<hbm>>) dst(%dma_wait3A_626 : memref<128x32xf32, #tpu.memory_space<vmem>>)
      %add3A_633 = arith.constant 2 : i32
      %add3A_634 = arith.addi %add3A_520, %add3A_633 : i32
      %lt3A_635 = arith.constant 100 : i32
      %lt3A_636 = arith.cmpi slt, %add3A_634, %lt3A_635 : i32
      %convert_element_type3A_637 = arith.extui %lt3A_636 : i1 to i32
      %cond3A_638 = arith.constant 0 : i32
      %cond3A_639 = arith.cmpi ne, %convert_element_type3A_637, %cond3A_638 : i32
      scf.if %cond3A_639 {
        %add3A_671 = arith.constant 2 : i32
        %add3A_672 = arith.addi %add3A_520, %add3A_671 : i32
        %mul3A_673 = arith.constant 8 : i32
        %mul3A_674 = arith.muli %add3A_672, %mul3A_673 : i32
        %add3A_675 = arith.addi %mul3A_2, %mul3A_674 : i32
        %dma_start3A_676 = arith.constant 1 : i32
        %dma_start3A_677 = arith.constant 0 : i32
        %dma_start3A_678 = arith.constant 0 : i32
        %dma_start3A_679 = tpu.memref_slice %arg5[%dma_start3A_676, %dma_start3A_677, %dma_start3A_678] : memref<2x8x128xi32, #tpu.memory_space<vmem>> -> memref<1x8x128xi32, #tpu.memory_space<vmem>>
        %dma_start3A_680 = tpu.memref_squeeze %dma_start3A_679 : memref<1x8x128xi32, #tpu.memory_space<vmem>> -> memref<8x128xi32, #tpu.memory_space<vmem>>
        %dma_start3A_681 = arith.constant 0 : i32
        %dma_start3A_682 = tpu.memref_slice %arg3[%add3A_675, %dma_start3A_681] : memref<25600x128xi32, #tpu.memory_space<hbm>> -> memref<8x128xi32, #tpu.memory_space<hbm>>
        %dma_start3A_683 = arith.constant 0 : i32
        %dma_start3A_684 = arith.constant 0 : i32
        %dma_start3A_685 = tpu.memref_slice %arg5[%dma_start3A_676, %dma_start3A_683, %dma_start3A_684] : memref<2x8x128xi32, #tpu.memory_space<vmem>> -> memref<1x8x128xi32, #tpu.memory_space<vmem>>
        %dma_start3A_686 = tpu.memref_squeeze %dma_start3A_685 : memref<1x8x128xi32, #tpu.memory_space<vmem>> -> memref<8x128xi32, #tpu.memory_space<vmem>>
        %dma_start3A_687 = arith.constant 0 : i32
        %dma_start3A_688 = tpu.memref_slice %arg3[%add3A_675, %dma_start3A_687] : memref<25600x128xi32, #tpu.memory_space<hbm>> -> memref<8x128xi32, #tpu.memory_space<hbm>>
        tpu.enqueue_dma source(%dma_start3A_688 : memref<8x128xi32, #tpu.memory_space<hbm>>) target(%dma_start3A_686 : memref<8x128xi32, #tpu.memory_space<vmem>>) target_semaphore(%arg8 : memref<!tpu.dma_semaphore, #tpu.memory_space<semaphore_mem>>)
      } else {
      }
      %mul3A_640 = arith.constant 512 : i32
      %mul3A_641 = arith.muli %scan3A_98, %mul3A_640 : i32
      %add3A_642 = arith.addi %mul3A_4, %mul3A_641 : i32
      %dma_start3A_643 = arith.constant 1 : i32
      %dma_start3A_644 = arith.constant 0 : i32
      %dma_start3A_645 = arith.constant 0 : i32
      %dma_start3A_646 = arith.constant 0 : i32
      %dma_start3A_647 = tpu.memref_slice %arg6[%dma_start3A_643, %dma_start3A_644, %dma_start3A_645, %dma_start3A_646] : memref<2x2x512x32xf32, #tpu.memory_space<vmem>> -> memref<1x1x512x32xf32, #tpu.memory_space<vmem>>
      %dma_start3A_648 = tpu.memref_squeeze %dma_start3A_647 : memref<1x1x512x32xf32, #tpu.memory_space<vmem>> -> memref<512x32xf32, #tpu.memory_space<vmem>>
      %dma_start3A_649 = arith.constant 64 : i32
      %dma_start3A_650 = tpu.memref_slice %arg4[%add3A_642, %dma_start3A_649] : memref<819200x128xf32, #tpu.memory_space<hbm>> -> memref<512x32xf32, #tpu.memory_space<hbm>>
      %dma_start3A_651 = arith.constant 64 : i32
      %dma_start3A_652 = tpu.memref_slice %arg4[%add3A_642, %dma_start3A_651] : memref<819200x128xf32, #tpu.memory_space<hbm>> -> memref<512x32xf32, #tpu.memory_space<hbm>>
      %dma_start3A_653 = arith.constant 0 : i32
      %dma_start3A_654 = arith.constant 0 : i32
      %dma_start3A_655 = tpu.memref_slice %arg6[%dma_start3A_643, %dma_start3A_644, %dma_start3A_653, %dma_start3A_654] : memref<2x2x512x32xf32, #tpu.memory_space<vmem>> -> memref<1x1x512x32xf32, #tpu.memory_space<vmem>>
      %dma_start3A_656 = tpu.memref_squeeze %dma_start3A_655 : memref<1x1x512x32xf32, #tpu.memory_space<vmem>> -> memref<512x32xf32, #tpu.memory_space<vmem>>
      tpu.enqueue_dma source(%dma_start3A_656 : memref<512x32xf32, #tpu.memory_space<vmem>>) target(%dma_start3A_652 : memref<512x32xf32, #tpu.memory_space<hbm>>) target_semaphore(%arg12 : memref<!tpu.dma_semaphore, #tpu.memory_space<semaphore_mem>>)
      %dma_start3A_657 = arith.constant 1 : i32
      %dma_start3A_658 = arith.constant 1 : i32
      %dma_start3A_659 = arith.constant 0 : i32
      %dma_start3A_660 = arith.constant 0 : i32
      %dma_start3A_661 = tpu.memref_slice %arg6[%dma_start3A_657, %dma_start3A_658, %dma_start3A_659, %dma_start3A_660] : memref<2x2x512x32xf32, #tpu.memory_space<vmem>> -> memref<1x1x512x32xf32, #tpu.memory_space<vmem>>
      %dma_start3A_662 = tpu.memref_squeeze %dma_start3A_661 : memref<1x1x512x32xf32, #tpu.memory_space<vmem>> -> memref<512x32xf32, #tpu.memory_space<vmem>>
      %dma_start3A_663 = arith.constant 96 : i32
      %dma_start3A_664 = tpu.memref_slice %arg4[%add3A_642, %dma_start3A_663] : memref<819200x128xf32, #tpu.memory_space<hbm>> -> memref<512x32xf32, #tpu.memory_space<hbm>>
      %dma_start3A_665 = arith.constant 96 : i32
      %dma_start3A_666 = tpu.memref_slice %arg4[%add3A_642, %dma_start3A_665] : memref<819200x128xf32, #tpu.memory_space<hbm>> -> memref<512x32xf32, #tpu.memory_space<hbm>>
      %dma_start3A_667 = arith.constant 0 : i32
      %dma_start3A_668 = arith.constant 0 : i32
      %dma_start3A_669 = tpu.memref_slice %arg6[%dma_start3A_657, %dma_start3A_658, %dma_start3A_667, %dma_start3A_668] : memref<2x2x512x32xf32, #tpu.memory_space<vmem>> -> memref<1x1x512x32xf32, #tpu.memory_space<vmem>>
      %dma_start3A_670 = tpu.memref_squeeze %dma_start3A_669 : memref<1x1x512x32xf32, #tpu.memory_space<vmem>> -> memref<512x32xf32, #tpu.memory_space<vmem>>
      tpu.enqueue_dma source(%dma_start3A_670 : memref<512x32xf32, #tpu.memory_space<vmem>>) target(%dma_start3A_666 : memref<512x32xf32, #tpu.memory_space<hbm>>) target_semaphore(%arg12 : memref<!tpu.dma_semaphore, #tpu.memory_space<semaphore_mem>>)
    }
    %scan3A_38 = arith.constant 50 : i32
    %add3A_39 = arith.constant 0 : i32
    %add3A_40 = arith.addi %mul3A_4, %add3A_39 : i32
    %dma_wait3A = arith.constant 0 : i32
    %dma_wait3A_41 = arith.constant 0 : i32
    %dma_wait3A_42 = arith.constant 0 : i32
    %dma_wait3A_43 = arith.constant 0 : i32
    %dma_wait3A_44 = tpu.memref_slice %arg6[%dma_wait3A, %dma_wait3A_41, %dma_wait3A_42, %dma_wait3A_43] : memref<2x2x512x32xf32, #tpu.memory_space<vmem>> -> memref<1x1x512x32xf32, #tpu.memory_space<vmem>>
    %dma_wait3A_45 = tpu.memref_squeeze %dma_wait3A_44 : memref<1x1x512x32xf32, #tpu.memory_space<vmem>> -> memref<512x32xf32, #tpu.memory_space<vmem>>
    %dma_wait3A_46 = arith.constant 0 : i32
    %dma_wait3A_47 = tpu.memref_slice %arg4[%add3A_40, %dma_wait3A_46] : memref<819200x128xf32, #tpu.memory_space<hbm>> -> memref<512x32xf32, #tpu.memory_space<hbm>>
    %dma_wait3A_48 = arith.constant 0 : i32
    %dma_wait3A_49 = tpu.memref_slice %arg4[%add3A_40, %dma_wait3A_48] : memref<819200x128xf32, #tpu.memory_space<hbm>> -> memref<512x32xf32, #tpu.memory_space<hbm>>
    %dma_wait3A_50 = arith.constant 0 : i32
    %dma_wait3A_51 = arith.constant 0 : i32
    %dma_wait3A_52 = tpu.memref_slice %arg6[%dma_wait3A, %dma_wait3A_41, %dma_wait3A_50, %dma_wait3A_51] : memref<2x2x512x32xf32, #tpu.memory_space<vmem>> -> memref<1x1x512x32xf32, #tpu.memory_space<vmem>>
    %dma_wait3A_53 = tpu.memref_squeeze %dma_wait3A_52 : memref<1x1x512x32xf32, #tpu.memory_space<vmem>> -> memref<512x32xf32, #tpu.memory_space<vmem>>
    tpu.wait_dma2 semaphore(%arg11 : memref<!tpu.dma_semaphore, #tpu.memory_space<semaphore_mem>>) src(%dma_wait3A_53 : memref<512x32xf32, #tpu.memory_space<vmem>>) dst(%dma_wait3A_49 : memref<512x32xf32, #tpu.memory_space<hbm>>)
    %dma_wait3A_54 = arith.constant 0 : i32
    %dma_wait3A_55 = arith.constant 1 : i32
    %dma_wait3A_56 = arith.constant 0 : i32
    %dma_wait3A_57 = arith.constant 0 : i32
    %dma_wait3A_58 = tpu.memref_slice %arg6[%dma_wait3A_54, %dma_wait3A_55, %dma_wait3A_56, %dma_wait3A_57] : memref<2x2x512x32xf32, #tpu.memory_space<vmem>> -> memref<1x1x512x32xf32, #tpu.memory_space<vmem>>
    %dma_wait3A_59 = tpu.memref_squeeze %dma_wait3A_58 : memref<1x1x512x32xf32, #tpu.memory_space<vmem>> -> memref<512x32xf32, #tpu.memory_space<vmem>>
    %dma_wait3A_60 = arith.constant 32 : i32
    %dma_wait3A_61 = tpu.memref_slice %arg4[%add3A_40, %dma_wait3A_60] : memref<819200x128xf32, #tpu.memory_space<hbm>> -> memref<512x32xf32, #tpu.memory_space<hbm>>
    %dma_wait3A_62 = arith.constant 32 : i32
    %dma_wait3A_63 = tpu.memref_slice %arg4[%add3A_40, %dma_wait3A_62] : memref<819200x128xf32, #tpu.memory_space<hbm>> -> memref<512x32xf32, #tpu.memory_space<hbm>>
    %dma_wait3A_64 = arith.constant 0 : i32
    %dma_wait3A_65 = arith.constant 0 : i32
    %dma_wait3A_66 = tpu.memref_slice %arg6[%dma_wait3A_54, %dma_wait3A_55, %dma_wait3A_64, %dma_wait3A_65] : memref<2x2x512x32xf32, #tpu.memory_space<vmem>> -> memref<1x1x512x32xf32, #tpu.memory_space<vmem>>
    %dma_wait3A_67 = tpu.memref_squeeze %dma_wait3A_66 : memref<1x1x512x32xf32, #tpu.memory_space<vmem>> -> memref<512x32xf32, #tpu.memory_space<vmem>>
    tpu.wait_dma2 semaphore(%arg11 : memref<!tpu.dma_semaphore, #tpu.memory_space<semaphore_mem>>) src(%dma_wait3A_67 : memref<512x32xf32, #tpu.memory_space<vmem>>) dst(%dma_wait3A_63 : memref<512x32xf32, #tpu.memory_space<hbm>>)
    %add3A_68 = arith.constant 0 : i32
    %add3A_69 = arith.addi %mul3A_4, %add3A_68 : i32
    %dma_wait3A_70 = arith.constant 1 : i32
    %dma_wait3A_71 = arith.constant 0 : i32
    %dma_wait3A_72 = arith.constant 0 : i32
    %dma_wait3A_73 = arith.constant 0 : i32
    %dma_wait3A_74 = tpu.memref_slice %arg6[%dma_wait3A_70, %dma_wait3A_71, %dma_wait3A_72, %dma_wait3A_73] : memref<2x2x512x32xf32, #tpu.memory_space<vmem>> -> memref<1x1x512x32xf32, #tpu.memory_space<vmem>>
    %dma_wait3A_75 = tpu.memref_squeeze %dma_wait3A_74 : memref<1x1x512x32xf32, #tpu.memory_space<vmem>> -> memref<512x32xf32, #tpu.memory_space<vmem>>
    %dma_wait3A_76 = arith.constant 64 : i32
    %dma_wait3A_77 = tpu.memref_slice %arg4[%add3A_69, %dma_wait3A_76] : memref<819200x128xf32, #tpu.memory_space<hbm>> -> memref<512x32xf32, #tpu.memory_space<hbm>>
    %dma_wait3A_78 = arith.constant 64 : i32
    %dma_wait3A_79 = tpu.memref_slice %arg4[%add3A_69, %dma_wait3A_78] : memref<819200x128xf32, #tpu.memory_space<hbm>> -> memref<512x32xf32, #tpu.memory_space<hbm>>
    %dma_wait3A_80 = arith.constant 0 : i32
    %dma_wait3A_81 = arith.constant 0 : i32
    %dma_wait3A_82 = tpu.memref_slice %arg6[%dma_wait3A_70, %dma_wait3A_71, %dma_wait3A_80, %dma_wait3A_81] : memref<2x2x512x32xf32, #tpu.memory_space<vmem>> -> memref<1x1x512x32xf32, #tpu.memory_space<vmem>>
    %dma_wait3A_83 = tpu.memref_squeeze %dma_wait3A_82 : memref<1x1x512x32xf32, #tpu.memory_space<vmem>> -> memref<512x32xf32, #tpu.memory_space<vmem>>
    tpu.wait_dma2 semaphore(%arg12 : memref<!tpu.dma_semaphore, #tpu.memory_space<semaphore_mem>>) src(%dma_wait3A_83 : memref<512x32xf32, #tpu.memory_space<vmem>>) dst(%dma_wait3A_79 : memref<512x32xf32, #tpu.memory_space<hbm>>)
    %dma_wait3A_84 = arith.constant 1 : i32
    %dma_wait3A_85 = arith.constant 1 : i32
    %dma_wait3A_86 = arith.constant 0 : i32
    %dma_wait3A_87 = arith.constant 0 : i32
    %dma_wait3A_88 = tpu.memref_slice %arg6[%dma_wait3A_84, %dma_wait3A_85, %dma_wait3A_86, %dma_wait3A_87] : memref<2x2x512x32xf32, #tpu.memory_space<vmem>> -> memref<1x1x512x32xf32, #tpu.memory_space<vmem>>
    %dma_wait3A_89 = tpu.memref_squeeze %dma_wait3A_88 : memref<1x1x512x32xf32, #tpu.memory_space<vmem>> -> memref<512x32xf32, #tpu.memory_space<vmem>>
    %dma_wait3A_90 = arith.constant 96 : i32
    %dma_wait3A_91 = tpu.memref_slice %arg4[%add3A_69, %dma_wait3A_90] : memref<819200x128xf32, #tpu.memory_space<hbm>> -> memref<512x32xf32, #tpu.memory_space<hbm>>
    %dma_wait3A_92 = arith.constant 96 : i32
    %dma_wait3A_93 = tpu.memref_slice %arg4[%add3A_69, %dma_wait3A_92] : memref<819200x128xf32, #tpu.memory_space<hbm>> -> memref<512x32xf32, #tpu.memory_space<hbm>>
    %dma_wait3A_94 = arith.constant 0 : i32
    %dma_wait3A_95 = arith.constant 0 : i32
    %dma_wait3A_96 = tpu.memref_slice %arg6[%dma_wait3A_84, %dma_wait3A_85, %dma_wait3A_94, %dma_wait3A_95] : memref<2x2x512x32xf32, #tpu.memory_space<vmem>> -> memref<1x1x512x32xf32, #tpu.memory_space<vmem>>
    %dma_wait3A_97 = tpu.memref_squeeze %dma_wait3A_96 : memref<1x1x512x32xf32, #tpu.memory_space<vmem>> -> memref<512x32xf32, #tpu.memory_space<vmem>>
    tpu.wait_dma2 semaphore(%arg12 : memref<!tpu.dma_semaphore, #tpu.memory_space<semaphore_mem>>) src(%dma_wait3A_97 : memref<512x32xf32, #tpu.memory_space<vmem>>) dst(%dma_wait3A_93 : memref<512x32xf32, #tpu.memory_space<hbm>>)
    return
  }
}

module attributes {stable_mosaic.version = 14 : i64} {
  func.func @_add_body(%arg0: i32, %arg1: memref<32x2048xf32, #tpu.memory_space<vmem>>, %arg2: memref<2048x32xf32, #tpu.memory_space<vmem>>, %arg3: memref<2048x32xf32, #tpu.memory_space<vmem>>) attributes {dimension_semantics = [#tpu.dimension_semantics<arbitrary>], iteration_bounds = array<i64: 49>, scalar_prefetch = 0 : i64, scratch_operands = 0 : i64, tpu.core_type = #tpu.core_type<tc>, window_params = [{transform_indices = @transform_0, window_bounds = array<i64: 32, 2048>}, {transform_indices = @transform_1, window_bounds = array<i64: 2048, 32>}, {transform_indices = @transform_2, window_bounds = array<i64: 2048, 32>}]} {
    %get3A = arith.constant 0 : index
    %get3A_0 = arith.constant 0 : index
    %get3A_1 = vector.load %arg1[%get3A, %get3A_0] : memref<32x2048xf32, #tpu.memory_space<vmem>>, vector<32x2048xf32>
    %transpose3A = tpu.transpose %get3A_1, [1, 0] : vector<32x2048xf32> -> vector<2048x32xf32>
    %get3A_2 = arith.constant 0 : index
    %get3A_3 = arith.constant 0 : index
    %get3A_4 = vector.load %arg2[%get3A_2, %get3A_3] : memref<2048x32xf32, #tpu.memory_space<vmem>>, vector<2048x32xf32>
    %add3A = arith.addf %transpose3A, %get3A_4 : vector<2048x32xf32>
    %swap3A = arith.constant 0 : index
    %swap3A_5 = arith.constant 0 : index
    %swap3A_6 = vector.load %arg3[%swap3A, %swap3A_5] : memref<2048x32xf32, #tpu.memory_space<vmem>>, vector<2048x32xf32>
    tpu.vector_store %arg3[%swap3A, %swap3A_5], %add3A {strides = array<i32>} : memref<2048x32xf32, #tpu.memory_space<vmem>>, vector<2048x32xf32>,
    return
  }
  func.func @transform_0(%arg0: i32) -> (i32, i32) {
    %c0_i32 = arith.constant 0 : i32
    %c0_i32_0 = arith.constant 0 : i32
    return %c0_i32, %arg0 : i32, i32
  }
  func.func @transform_1(%arg0: i32) -> (i32, i32) {
    %c0_i32 = arith.constant 0 : i32
    %c0_i32_0 = arith.constant 0 : i32
    return %arg0, %c0_i32 : i32, i32
  }
  func.func @transform_2(%arg0: i32) -> (i32, i32) {
    %c0_i32 = arith.constant 0 : i32
    %c0_i32_0 = arith.constant 0 : i32
    return %arg0, %c0_i32 : i32, i32
  }
}

module attributes {stable_mosaic.version = 14 : i64} {
  func.func @_tr_body(%arg0: i32, %arg1: i32, %arg2: memref<512x128xf32, #tpu.memory_space<vmem>>, %arg3: memref<1x32x2048xf32, #tpu.memory_space<vmem>>) attributes {dimension_semantics = [#tpu.dimension_semantics<arbitrary>, #tpu.dimension_semantics<arbitrary>], iteration_bounds = array<i64: 200, 8>, scalar_prefetch = 0 : i64, scratch_operands = 0 : i64, tpu.core_type = #tpu.core_type<tc>, window_params = [{transform_indices = @transform_0, window_bounds = array<i64: 512, 128>}, {transform_indices = @transform_1, window_bounds = array<i64: 1, 32, 2048>}]} {
    %get3A = arith.constant 0 : index
    %get3A_0 = arith.constant 0 : index
    %get3A_1 = vector.load %arg2[%get3A, %get3A_0] : memref<512x128xf32, #tpu.memory_space<vmem>>, vector<512x128xf32>
    %transpose3A = tpu.transpose %get3A_1, [1, 0] : vector<512x128xf32> -> vector<128x512xf32>
    %slice3A = vector.extract_strided_slice %transpose3A {offsets = [0, 0], sizes = [32, 512], strides = [1, 1]} : vector<128x512xf32> to vector<32x512xf32>
    %swap3A = arith.constant 0 : index
    %swap3A_2 = arith.constant 0 : index
    %swap3A_3 = arith.constant 0 : index
    %swap3A_4 = vector.load %arg3[%swap3A, %swap3A_2, %swap3A_3] : memref<1x32x2048xf32, #tpu.memory_space<vmem>>, vector<1x32x512xf32>
    %swap3A_5 = vector.shape_cast %swap3A_4 : vector<1x32x512xf32> to vector<32x512xf32>
    %swap3A_6 = vector.shape_cast %slice3A : vector<32x512xf32> to vector<1x32x512xf32>
    tpu.vector_store %arg3[%swap3A, %swap3A_2, %swap3A_3], %swap3A_6 {strides = array<i32>} : memref<1x32x2048xf32, #tpu.memory_space<vmem>>, vector<1x32x512xf32>,
    %slice3A_7 = vector.extract_strided_slice %transpose3A {offsets = [32, 0], sizes = [32, 512], strides = [1, 1]} : vector<128x512xf32> to vector<32x512xf32>
    %swap3A_8 = arith.constant 0 : index
    %swap3A_9 = arith.constant 0 : index
    %swap3A_10 = arith.constant 512 : index
    %swap3A_11 = vector.load %arg3[%swap3A_8, %swap3A_9, %swap3A_10] : memref<1x32x2048xf32, #tpu.memory_space<vmem>>, vector<1x32x512xf32>
    %swap3A_12 = vector.shape_cast %swap3A_11 : vector<1x32x512xf32> to vector<32x512xf32>
    %swap3A_13 = vector.shape_cast %slice3A_7 : vector<32x512xf32> to vector<1x32x512xf32>
    tpu.vector_store %arg3[%swap3A_8, %swap3A_9, %swap3A_10], %swap3A_13 {strides = array<i32>} : memref<1x32x2048xf32, #tpu.memory_space<vmem>>, vector<1x32x512xf32>,
    %slice3A_14 = vector.extract_strided_slice %transpose3A {offsets = [64, 0], sizes = [32, 512], strides = [1, 1]} : vector<128x512xf32> to vector<32x512xf32>
    %swap3A_15 = arith.constant 0 : index
    %swap3A_16 = arith.constant 0 : index
    %swap3A_17 = arith.constant 1024 : index
    %swap3A_18 = vector.load %arg3[%swap3A_15, %swap3A_16, %swap3A_17] : memref<1x32x2048xf32, #tpu.memory_space<vmem>>, vector<1x32x512xf32>
    %swap3A_19 = vector.shape_cast %swap3A_18 : vector<1x32x512xf32> to vector<32x512xf32>
    %swap3A_20 = vector.shape_cast %slice3A_14 : vector<32x512xf32> to vector<1x32x512xf32>
    tpu.vector_store %arg3[%swap3A_15, %swap3A_16, %swap3A_17], %swap3A_20 {strides = array<i32>} : memref<1x32x2048xf32, #tpu.memory_space<vmem>>, vector<1x32x512xf32>,
    %slice3A_21 = vector.extract_strided_slice %transpose3A {offsets = [96, 0], sizes = [32, 512], strides = [1, 1]} : vector<128x512xf32> to vector<32x512xf32>
    %swap3A_22 = arith.constant 0 : index
    %swap3A_23 = arith.constant 0 : index
    %swap3A_24 = arith.constant 1536 : index
    %swap3A_25 = vector.load %arg3[%swap3A_22, %swap3A_23, %swap3A_24] : memref<1x32x2048xf32, #tpu.memory_space<vmem>>, vector<1x32x512xf32>
    %swap3A_26 = vector.shape_cast %swap3A_25 : vector<1x32x512xf32> to vector<32x512xf32>
    %swap3A_27 = vector.shape_cast %slice3A_21 : vector<32x512xf32> to vector<1x32x512xf32>
    tpu.vector_store %arg3[%swap3A_22, %swap3A_23, %swap3A_24], %swap3A_27 {strides = array<i32>} : memref<1x32x2048xf32, #tpu.memory_space<vmem>>, vector<1x32x512xf32>,
    return
  }
  func.func @transform_0(%arg0: i32, %arg1: i32) -> (i32, i32) {
    %mul3A = arith.constant 8 : i32
    %mul3A_0 = arith.muli %arg0, %mul3A : i32
    %add3A = arith.addi %mul3A_0, %arg1 : i32
    %c0_i32 = arith.constant 0 : i32
    %c0_i32_1 = arith.constant 0 : i32
    return %add3A, %c0_i32 : i32, i32
  }
  func.func @transform_1(%arg0: i32, %arg1: i32) -> (i32, i32, i32) {
    %c0_i32 = arith.constant 0 : i32
    %c0_i32_0 = arith.constant 0 : i32
    return %arg0, %c0_i32, %arg1 : i32, i32, i32
  }
}

</mosaic_0001>

<sc_bundles>
// kernel: kernel.5.cloned.1.call-start
scs
__scs_entry_jumppad:
0x0: {  	(pc) =	sbr.rel $0x88, $3  }
0x1: {  	(tag) =	ssettag $0x0;
	lr =	simm.s32 $0x1  }
0x2: {  	[smem:$0x3F9F] =	sst lr;
	_ =	strace $0xD0000000  }
0x3: {  	_ = 	snop  }
0x4: {  	_ = 	snop  }
0x5: {  	_ = 	snop  }
0x6: {  	_ = 	snop  }
0x7: {  	_ = 	snop  }
__scs_overlays_trampoline_lowered:
0x8: {  	[smem:$0x3FAE] =	sst s0  }
0x9: {  	[smem:$0x3FAF] =	sst s1  }
0xa: {  	[smem:$0x3FB0] =	sst s2  }
0xb: {  	[smem:$0x3FB1] =	sst s3  }
0xc: {  	[smem:$0x3FB2] =	sst s4  }
0xd: {  	[smem:$0x3FB3] =	sst s5  }
0xe: {  	[smem:$0x3FB4] =	sst s6  }
0xf: {  	[smem:$0x3FB5] =	sst s7  }
0x10: {  	[smem:$0x3FB6] =	sst s8  }
0x11: {  	[smem:$0x3FB7] =	sst s9;
	s0 =	simm.s32 @!p0 $0x0  }
0x12: {  	s1 =	sld [smem:$0x3F9D];
	s0 =	simm.s32 @p0 $0x1  }
0x13: {  	[smem:$0x3FB8] =	sst s0;
	s0 =	simm.s32 @!p1 $0x0  }
0x14: {  	s2 =	sld [smem:$0x3F9C];
	s0 =	simm.s32 @p1 $0x1  }
0x15: {  	[smem:$0x3FB9] =	sst s0;
	s0 =	simm.s32 @!p2 $0x0  }
0x16: {  	s3 =	sld [smem:$0x3FDB];
	s0 =	simm.s32 @p2 $0x1  }
0x17: {  	s4 =	simm.s32 $0x1BF5;
	[smem:$0x3FBB] =	sst s0  }
0x18: {  	s0 =	sld [smem:$0x3F9E];
	_ =	swait.ge [sflag:s4], $0x0  }
0x19: {  	s7 =	sld [smem:$0x3F9F]  }
0x1a: {  	s8 =	sadd.s32 $0xFFFFE003, lr  }
0x1b: {  	s9 =	sadd.s32 $0xFFFFFEF7, lr;
	s5 =	simm.s32 $0xFFFFFFFF;
	p2 =	slt.u32 s8, $0xFFFFF086  }
0x1c: {  	p1 =	slt.u32 s9, $0xF7A;
	s5 =	simm.s32 @!p2 $0x0  }
0x1d: {  	s5 =	simm.s32 @p1 $0x1;
	p0 =	seq.s32 s7, s2  }
0x1e: {  	s7 =	smul.u32 @!p0 $0xF7A, s2;
	p2 =	seq.s32 @!p0 s5, $0x0  }
0x1f: {  	s9 =	smul.u32 $0xF7A, s1;
	s8 =	simm.s32 @!p0 $0x1BF5;
	p2 =	por !p2, p0  }
0x20: {  	[sflag:s8] =	ssyncset.s32 @!p0 $0xFFFFF086;
	s6 =	sadd.s32 @!p0 s3, s7;
	s7 =	simm.s32 @!p0 $0x108  }
0x21: {  	s3 =	sadd.s32 s3, s9;
	s6 =	sadd.s32 @!p0 $0x88, s6;
	s7 =	simm.s32 @p2 $0x1082  }
0x22: {  	[simem:s7], [sflag:s8] =	dma.local @!p0 [hbm:s6], $0xF7A  }
0x23: {  	s9 =	sor.u32 $0xD0000000, s2;
	s6 =	simm.s32 $0x108;
	_ =	swait.ge @!p0 [sflag:s8], $0x0  }
0x24: {  	s3 =	sadd.s32 $0x88, s3;
	s6 =	simm.s32 @!p1 $0x1082;
	[sflag:s4] =	ssyncset.s32 $0xFFFFF086  }
0x25: {  	[simem:s6], [sflag:s4] =	dma.local [hbm:s3], $0xF7A  }
0x26: {  	[smem:$0x3F9F] =	sst s1;
	(tag) =	ssettag s2;
	_ =	strace s9  }
0x27: {  	s1 =	sld [smem:$0x3FAF]  }
0x28: {  	s2 =	sld [smem:$0x3FB0]  }
0x29: {  	s4 =	sld [smem:$0x3FB2]  }
0x2a: {  	p0 =	seq.s32 s5, $0x0;
	s5 =	sld [smem:$0x3FB3]  }
0x2b: {  	s6 =	sld [smem:$0x3FB4]  }
0x2c: {  	s7 =	sld [smem:$0x3FB5]  }
0x2d: {  	s3 =	simm.s32 $0x108;
	s8 =	sld [smem:$0x3FB6]  }
0x2e: {  	s3 =	simm.s32 @!p0 $0x1082;
	s9 =	sld [smem:$0x3FB7]  }
0x2f: {  	lr =	sadd.s32 s0, s3;
	s0 =	sld [smem:$0x3FAE]  }
0x30: {  	s3 =	sld [smem:$0x3FB1]  }
0x31: {  	[smem:$0x3FBA] =	sst s10  }
0x32: {  	s10 =	sld [smem:$0x3FB8];
	_ =	sdelay $0x3  }
0x33: {  	p0 =	seq.s32 s10, $0x1;
	s10 =	sld [smem:$0x3FBA];
	_ =	sdelay $0x3  }
0x34: {  	[smem:$0x3FBA] =	sst s10  }
0x35: {  	s10 =	sld [smem:$0x3FB9];
	_ =	sdelay $0x3  }
0x36: {  	p1 =	seq.s32 s10, $0x1;
	s10 =	sld [smem:$0x3FBA];
	_ =	sdelay $0x3  }
0x37: {  	[smem:$0x3FBA] =	sst s10  }
0x38: {  	s10 =	sld [smem:$0x3FBB]  }
0x39: {  	_ = 	snop;
	(pc) =	sbr.ind lr, $3  }
0x3a: {  	_ = 	snop  }
0x3b: {  	_ = 	snop  }
0x3c: {  	p2 =	seq.s32 s10, $0x1;
	s10 =	sld [smem:$0x3FBA]  }
0x3d: {  	_ =	shalt  }
0x3e: {  	_ =	shalt  }
0x3f: {  	_ =	shalt  }
0x40: {  	_ =	shalt  }
0x41: {  	_ =	shalt  }
0x42: {  	_ =	shalt  }
0x43: {  	_ =	shalt  }
0x44: {  	_ =	shalt  }
0x45: {  	_ =	shalt  }
0x46: {  	_ =	shalt  }
0x47: {  	_ =	shalt  }
0x48: {  	_ =	shalt  }
0x49: {  	_ =	shalt  }
0x4a: {  	_ =	shalt  }
0x4b: {  	_ =	shalt  }
0x4c: {  	_ =	shalt  }
0x4d: {  	_ =	shalt  }
0x4e: {  	_ =	shalt  }
0x4f: {  	_ =	shalt  }
0x50: {  	_ =	shalt  }
0x51: {  	_ =	shalt  }
0x52: {  	_ =	shalt  }
0x53: {  	_ =	shalt  }
0x54: {  	_ =	shalt  }
0x55: {  	_ =	shalt  }
0x56: {  	_ =	shalt  }
0x57: {  	_ =	shalt  }
0x58: {  	_ =	shalt  }
0x59: {  	_ =	shalt  }
0x5a: {  	_ =	shalt  }
0x5b: {  	_ =	shalt  }
0x5c: {  	_ =	shalt  }
0x5d: {  	_ =	shalt  }
0x5e: {  	_ =	shalt  }
0x5f: {  	_ =	shalt  }
0x60: {  	_ =	shalt  }
0x61: {  	_ =	shalt  }
0x62: {  	_ =	shalt  }
0x63: {  	_ =	shalt  }
0x64: {  	_ =	shalt  }
0x65: {  	_ =	shalt  }
0x66: {  	_ =	shalt  }
0x67: {  	_ =	shalt  }
0x68: {  	_ =	shalt  }
0x69: {  	_ =	shalt  }
0x6a: {  	_ =	shalt  }
0x6b: {  	_ =	shalt  }
0x6c: {  	_ =	shalt  }
0x6d: {  	_ =	shalt  }
0x6e: {  	_ =	shalt  }
0x6f: {  	_ =	shalt  }
0x70: {  	_ =	shalt  }
0x71: {  	_ =	shalt  }
0x72: {  	_ =	shalt  }
0x73: {  	_ =	shalt  }
0x74: {  	_ =	shalt  }
0x75: {  	_ =	shalt  }
0x76: {  	_ =	shalt  }
0x77: {  	_ =	shalt  }
0x78: {  	_ =	shalt  }
0x79: {  	_ =	shalt  }
0x7a: {  	_ =	shalt  }
0x7b: {  	_ =	shalt  }
0x7c: {  	_ =	shalt  }
0x7d: {  	_ =	shalt  }
0x7e: {  	_ =	shalt  }
0x7f: {  	_ =	shalt  }
0x80: {  	_ =	shalt  }
0x81: {  	_ =	shalt  }
0x82: {  	_ =	shalt  }
0x83: {  	_ =	shalt  }
0x84: {  	_ =	shalt  }
0x85: {  	_ =	shalt  }
0x86: {  	_ =	shalt  }
0x87: {  	_ =	shalt  }
.Lfunc_end0:
.L_simem_size_0:
called_computation_lowered:
.L_overlay_start_0:
0x88: {  	s2 =	sld [smem:$0x3FD9]  }
0x89: {  	s3 =	sld [smem:$0x3FFE];
	_ =	sdelay $0x1  }
0x8a: {  	s1 =	srdreg.scid  }
0x8b: {  	s0 =	sand.u32 $0x1, s1  }
0x8c: {  	s16 =	sshll.u32 s0, $0xA;
	s2 =	sadd.s32 s3, s2  }
0x8d: {  	s2 =	sadd.s32 s2, s16  }
0x8e: {  	[smem:$0x3FC6] =	sst s2  }
0x8f: {  	_ = 	snop  }
0x90: {  	(tm) =	ssettm $0x1  }
0x91: {  	s17 =	sld [smem:$0x3FFB];
	_ =	sdelay $0x3  }
0x92: {  	_ =	strace s17  }
0x93: {  	s2 =	sld [smem:$0x3FFC];
	_ =	sdelay $0x3  }
0x94: {  	_ =	strace s2  }
0x95: {  	s2 =	sld [smem:$0x3FFD];
	_ =	sdelay $0x3  }
0x96: {  	_ =	strace s2  }
0x97: {  	_ =	strace $0x8FFFFFFF  }
0x98: {  	s18 =	sld [smem:$0x3FDB];
	_ =	sdelay $0x1  }
0x99: {  	s19 =	simm.s32 $_scs_section_size  }
0x9a: {  	s4 =	simm.s32 $_size__tile_overlayer_lowered;
	s5 =	simm.s32 $_tile_overlayer_lowered  }
0x9b: {  	s22 =	simm.s32 $0x1BFF;
	s21 =	sshll.u32 s5, $0x1;
	s2 =	sadd.s32 s19, s18  }
0x9c: {  	s6 =	simm.s32 $0x0;
	s20 =	sshll.u32 s4, $0x1;
	s4 =	sadd.s32 s21, s2  }
0x9d: {  	[timem:s6], [sflag:s22] =	dma.local [hbm:s4], s20  }
0x9e: {  	_ =	swait.ge [sflag:s22], s20  }
0x9f: {  	s3 =	ssub.s32 $0x0, s20;
	[sflag:s22] =	ssyncset.done $0x0  }
0xa0: {  	[sflag:s22] =	ssyncadd.s32 s3;
	_ =	sdelay $0x1  }
0xa1: {  	s23 =	simm.s32 $0x1B8B  }
0xa2: {  	_ =	swait.ge [sflag:s23], $0x1  }
0xa3: {  	[sflag:s23] =	ssyncset.done $0x0  }
0xa4: {  	s25 =	simm.s32 $0x1B8E;
	s24 =	sld [smem:$0x3FFE];
	[sflag:s23] =	ssyncadd.s32 $0xFFFFFFFF  }
0xa5: {  	s26 =	simm.s32 $execute0_lowered;
	[smem:$0x3FD2] =	sst s25  }
0xa6: {  	s4 =	sshll.u32 s26, $0x1;
	_ =	strace $0x80000046;
	[dreg:$0x1] =	wrdreg $0xFFFFFFFF  }
0xa7: {  	s28 =	simm.s32 $_size_execute0_lowered;
	s2 =	sadd.s32 s2, s4;
	[dreg:$0x0] =	wrdreg $0x0  }
0xa8: {  	s4 =	sshll.u32 s28, $0x1;
	[dreg:$0x2] =	wrdreg s2  }
0xa9: {  	[dreg:$0x3] =	wrdreg s4  }
0xaa: {  	[dreg:$0x4] =	wrdreg $0xC0  }
0xab: {  	_ =	task [dreg:s6], $0x5FFFF  }
0xac: {  	[dreg:$0x1] =	wrdreg $0xFFFFFFFF  }
0xad: {  	[dreg:$0x0] =	wrdreg $0x60  }
0xae: {  	[dreg:$0x2] =	wrdreg s24  }
0xaf: {  	[dreg:$0x3] =	wrdreg $0x9  }
0xb0: {  	_ =	task.clear_ibuf [dreg:s6], $0x4FFFF;
	_ =	strace $0x90000046  }
0xb1: {  	s29 =	simm.s32 $0x9;
	_ =	strace $0x80000048  }
0xb2: {  	_ =	swait.ge [sflag:s29], $0x1  }
0xb3: {  	[sflag:s29] =	ssyncadd.s32 $0xFFFFFFFF  }
0xb4: {  	_ =	strace $0x90000048  }
0xb5: {  	_ =	sfence  }
0xb6: {  	s30 =	sld [smem:$0x0];
	_ =	sdelay $0x2  }
0xb7: {  	s31 =	sshll.u32 s1, $0xD;
	s1 =	sshrl.u32 s1, $0x2  }
0xb8: {  	s3 =	sand.u32 $0x4000, s31;
	s1 =	sadd.s32 s1, s30  }
0xb9: {  	s0 =	sor.u32 s3, s0;
	s1 =	sshll.u32 s1, $0x11  }
0xba: {  	s0 =	sor.u32 s1, s0  }
0xbb: {  	s0 =	sadd.s32 $0x8F2B, s0  }
0xbc: {  	[sflag:s0] =	ssyncadd.remote.s32 $0x1  }
0xbd: {  	_ =	sfence.sel $0xFFFF  }
0xbe: {  	[dreg:$0x0] =	wrdreg $0xFFFFFFFF;
	(pc) =	sbr.abs _section_cstart, $3  }
0xbf: {  	[dreg:$0x1] =	wrdreg $0xFFFFFFFF  }
0xc0: {  	_ =	task.clear_ibuf [dreg:s6], $0x2FFFF;
	_ =	strace $0x9FFFFFFF  }
0xc1: {  	(tm) =	ssettm $0x7FFFFFFF  }
tec
execute0_lowered:
.L_overlay_start_1:
0x0: {  	(tag) =	ssettag $0x1  }
0x1: {  	s1 =	rddreg [dreg:$0x0];
	s2 =	simm.s32 $0x0  }
0x2: {  	s0 =	srdreg.scid;
	s31 =	simm.s32 $0x1800;
	[smem:$0x7FF] =	sst s2  }
0x3: {  	s9 =	simm.s32 $0x2800;
	_ =	strace $0x80000047;
	[dreg:$0x3] =	wrdreg s31  }
0x4: {  	s8 =	stileid.u32;
	s11 =	simm.s32 $0x180;
	[dreg:$0x5] =	wrdreg s9  }
0x5: {  	s12 =	simm.s32 $0x3800;
	s13 =	simm.s32 $0x200;
	[dreg:$0x6] =	wrdreg s11  }
0x6: {  	s15 =	simm.s32 $0x280;
	s17 =	simm.s32 $0x5800;
	[dreg:$0x7] =	wrdreg s12  }
0x7: {  	s18 =	simm.s32 $0x300;
	s20 =	simm.s32 $0x6800;
	[dreg:$0x8] =	wrdreg s13  }
0x8: {  	s21 =	simm.s32 $0x380;
	s22 =	simm.s32 $0x7800;
	[dreg:$0x9] =	wrdreg s15  }
0x9: {  	s24 =	simm.s32 $0x480;
	s25 =	simm.s32 $0x9800;
	[dreg:$0xa] =	wrdreg s17  }
0xa: {  	s26 =	simm.s32 $0x500;
	s28 =	simm.s32 $0xA800;
	[dreg:$0xb] =	wrdreg s18  }
0xb: {  	s0 =	sand.u32 $0x1, s0;
	s4 =	smul.u32 $0x640000, s8;
	[dreg:$0xc] =	wrdreg s20  }
0xc: {  	s3 =	sadd.s32 $0x64600, s1;
	s29 =	sadd.s32 $0x600, s1;
	[dreg:$0xd] =	wrdreg s21  }
0xd: {  	s6 =	sshll.u32 s8, $0x1;
	s10 =	smul.u32 $0x32000, s8;
	[dreg:$0xe] =	wrdreg s22  }
0xe: {  	s5 =	smul.u32 $0x320000, s0;
	s30 =	ssub.s32 $0x2, s0;
	[dreg:$0xf] =	wrdreg s24  }
0xf: {  	s6 =	sor.u32 s0, s6;
	s0 =	smul.u32 $0x19000, s0;
	[dreg:$0x10] =	wrdreg s25  }
0x10: {  	s9 =	simm.s32 $0x400;
	s11 =	simm.s32 $0x80;
	[dreg:$0x11] =	wrdreg s26  }
0x11: {  	s12 =	simm.s32 $0x800;
	[dreg:$0x12] =	wrdreg s28;
	s13 =	simm.s32 $0x4800  }
0x12: {  	s31 =	simm.s32 $0x600;
	s15 =	simm.s32 $0x8800;
	s17 =	simm.s32 $0x680  }
0x13: {  	s18 =	simm.s32 $0xD800;
	s20 =	simm.s32 $0xE800;
	s21 =	simm.s32 $0x780  }
0x14: {  	s22 =	simm.s32 $0xF800;
	s24 =	simm.s32 $0x20;
	s6 =	smul.u32 $0x3200, s6  }
0x15: {  	s25 =	simm.s32 $0x4;
	s7 =	sshrl.u32 s30, $0x1;
	s4 =	sadd.s32 s5, s4  }
0x16: {  	[dreg:$0x15] =	wrdreg s31;
	s4 =	sshrl.u32 s4, $0x3;
	s6 =	sadd.s32 s29, s6  }
0x17: {  	s1 =	sadd.s32 s4, s1;
	[dreg:$0x16] =	wrdreg s6;
	s6 =	sadd.s32 $0x80, s6  }
0x18: {  	s4 =	ssub.s32 s30, s7;
	s7 =	simm.s32 $0x100;
	[dreg:$0x17] =	wrdreg s6  }
0x19: {  	s14 =	sadd.s32 s0, s10;
	s30 =	simm.s32 $0xB800;
	[dreg:$0x4] =	wrdreg s7  }
0x1a: {  	s10 =	simm.s32 $0x1;
	s1 =	sadd.s32 $0xC6200, s1;
	[dreg:$0x14] =	wrdreg s30  }
0x1b: {  	s16 =	sor.u32 $0xC00, s14;
	s4 =	smax.u32 s4, $0x1;
	[dreg:$0x2] =	wrdreg s1  }
0x1c: {  	[dreg:$0x18] =	wrdreg s4;
	s1 =	sshrl.u32 s16, $0x3;
	s4 =	sor.u32 $0x800, s14  }
0x1d: {  	s14 =	simm.s32 $0x2;
	s19 =	sadd.s32 s1, s29;
	s4 =	sshrl.u32 s4, $0x3  }
0x1e: {  	s16 =	simm.s32 $0xC800;
	[dreg:$0x19] =	wrdreg s19;
	s23 =	sadd.s32 s4, s29  }
0x1f: {  	s29 =	simm.s32 $0x580;
	s19 =	simm.s32 $0x700;
	[dreg:$0x1a] =	wrdreg s23  }
0x20: {  	s4 =	simm.s32 $0x0;
	[dreg:$0x13] =	wrdreg s29;
	s23 =	simm.s32 $0x3  }
.LBB2_1:
0x21: {  	[dreg:$0x1b] =	wrdreg s4  }
0x22: {  	s0 =	rddreg [dreg:$0x16]  }
0x23: {  	[tilespmem:s2], [sflag:$0x1] =	stream.linear.gather [hbm4b:s0+s2], $0x400, $0x38;
	[tilespmem:$0x10800] =	vst v63  }
0x24: {  	s8 =	rddreg [dreg:$0x17]  }
0x25: {  	[tilespmem:s9], [sflag:$0x2] =	stream.linear.gather [hbm4b:s8+s2], $0x400, $0x38;
	[tilespmem:$0x10800] =	vst v63  }
0x26: {  	_ =	swait.ge [sflag:s10], $0x400  }
0x27: {  	p0 =	por $0x1, $0x1;
	[sflag:s10] =	ssyncset.done $0x0  }
0x28: {  	s1 =	simm.s32 @!p0 $0x5;
	[sflag:s10] =	ssyncadd.s32 $0xFFFFFC00  }
0x29: {  	_ =	swait.ge @!p0 [sflag:s1], $0x4000  }
0x2a: {  	[sflag:s1] =	ssyncset.done @!p0 $0x0  }
0x2b: {  	[sflag:s1] =	ssyncadd.s32 @!p0 $0xFFFFC000  }
0x2c: {  	_ =	swait.ge @!p0 [sflag:s1], $0x4000  }
0x2d: {  	s4 =	rddreg [dreg:$0xa]  }
0x2e: {  	s5 =	rddreg [dreg:$0x4]  }
0x2f: {  	s6 =	rddreg [dreg:$0x3]  }
0x30: {  	[sflag:s1] =	ssyncset.done @!p0 $0x0;
	s7 =	rddreg [dreg:$0x7]  }
0x31: {  	s26 =	rddreg [dreg:$0x5];
	[sflag:s1] =	ssyncadd.s32 @!p0 $0xFFFFC000  }
0x32: {  	[tilespmem:s12], [sflag:$0x3] =	stream.indirect.gather [hbm4b:s3+s11], $0x20, s2, s11, $0xb8;
	[tilespmem:$0x10800] =	vst v63  }
0x33: {  	s30 =	rddreg [dreg:$0x6]  }
0x34: {  	[tilespmem:s6], [sflag:$0x3] =	stream.indirect.gather [hbm4b:s3+s11], $0x20, s11, s11, $0xb8;
	[tilespmem:$0x10800] =	vst v63  }
0x35: {  	s28 =	rddreg [dreg:$0x8]  }
0x36: {  	[tilespmem:s26], [sflag:$0x3] =	stream.indirect.gather [hbm4b:s3+s11], $0x20, s5, s11, $0xb8;
	[tilespmem:$0x10800] =	vst v63  }
0x37: {  	s29 =	rddreg [dreg:$0x9]  }
0x38: {  	[tilespmem:s7], [sflag:$0x3] =	stream.indirect.gather [hbm4b:s3+s11], $0x20, s30, s11, $0xb8;
	[tilespmem:$0x10800] =	vst v63  }
0x39: {  	s0 =	rddreg [dreg:$0xc]  }
0x3a: {  	[tilespmem:s13], [sflag:$0x3] =	stream.indirect.gather [hbm4b:s3+s11], $0x20, s28, s11, $0xb8;
	[tilespmem:$0x10800] =	vst v63  }
0x3b: {  	s8 =	rddreg [dreg:$0xb]  }
0x3c: {  	[tilespmem:s4], [sflag:$0x3] =	stream.indirect.gather [hbm4b:s3+s11], $0x20, s29, s11, $0xb8;
	[tilespmem:$0x10800] =	vst v63  }
0x3d: {  	s26 =	rddreg [dreg:$0xd]  }
0x3e: {  	[tilespmem:s0], [sflag:$0x3] =	stream.indirect.gather [hbm4b:s3+s11], $0x20, s8, s11, $0xb8;
	[tilespmem:$0x10800] =	vst v63  }
0x3f: {  	s28 =	rddreg [dreg:$0xe]  }
0x40: {  	[tilespmem:s28], [sflag:$0x3] =	stream.indirect.gather [hbm4b:s3+s11], $0x20, s26, s11, $0xb8;
	[tilespmem:$0x10800] =	vst v63  }
0x41: {  	_ =	swait.ge [sflag:s14], $0x400  }
0x42: {  	[sflag:s14] =	ssyncset.done $0x0  }
0x43: {  	s1 =	simm.s32 @!p0 $0x6;
	[sflag:s14] =	ssyncadd.s32 $0xFFFFFC00  }
0x44: {  	_ =	swait.ge @!p0 [sflag:s1], $0x4000  }
0x45: {  	[sflag:s1] =	ssyncset.done @!p0 $0x0  }
0x46: {  	[sflag:s1] =	ssyncadd.s32 @!p0 $0xFFFFC000  }
0x47: {  	_ =	swait.ge @!p0 [sflag:s1], $0x4000  }
0x48: {  	s4 =	rddreg [dreg:$0x13]  }
0x49: {  	s29 =	rddreg [dreg:$0xf];
	[sflag:s1] =	ssyncset.done @!p0 $0x0  }
0x4a: {  	s0 =	rddreg [dreg:$0x12];
	[sflag:s1] =	ssyncadd.s32 @!p0 $0xFFFFC000  }
0x4b: {  	[tilespmem:s15], [sflag:$0x4] =	stream.indirect.gather [hbm4b:s3+s11], $0x20, s9, s11, $0xb8;
	[tilespmem:$0x10800] =	vst v63  }
0x4c: {  	s7 =	rddreg [dreg:$0x10]  }
0x4d: {  	[tilespmem:s7], [sflag:$0x4] =	stream.indirect.gather [hbm4b:s3+s11], $0x20, s29, s11, $0xb8;
	[tilespmem:$0x10800] =	vst v63  }
0x4e: {  	s8 =	rddreg [dreg:$0x11]  }
0x4f: {  	[tilespmem:s0], [sflag:$0x4] =	stream.indirect.gather [hbm4b:s3+s11], $0x20, s8, s11, $0xb8;
	[tilespmem:$0x10800] =	vst v63  }
0x50: {  	s26 =	rddreg [dreg:$0x14]  }
0x51: {  	[tilespmem:s26], [sflag:$0x4] =	stream.indirect.gather [hbm4b:s3+s11], $0x20, s4, s11, $0xb8;
	[tilespmem:$0x10800] =	vst v63  }
0x52: {  	s28 =	rddreg [dreg:$0x15]  }
0x53: {  	[tilespmem:s16], [sflag:$0x4] =	stream.indirect.gather [hbm4b:s3+s11], $0x20, s28, s11, $0xb8;
	[tilespmem:$0x10800] =	vst v63  }
0x54: {  	_ = 	snop  }
0x55: {  	[tilespmem:s18], [sflag:$0x4] =	stream.indirect.gather [hbm4b:s3+s11], $0x20, s17, s11, $0xb8;
	[tilespmem:$0x10800] =	vst v63  }
0x56: {  	_ = 	snop  }
0x57: {  	[tilespmem:s20], [sflag:$0x4] =	stream.indirect.gather [hbm4b:s3+s11], $0x20, s19, s11, $0xb8;
	[tilespmem:$0x10800] =	vst v63  }
0x58: {  	_ = 	snop  }
0x59: {  	[tilespmem:s22], [sflag:$0x4] =	stream.indirect.gather [hbm4b:s3+s11], $0x20, s21, s11, $0xb8;
	[tilespmem:$0x10800] =	vst v63  }
0x5a: {  	_ =	swait.ge [sflag:s23], $0x1000  }
0x5b: {  	[sflag:s23] =	ssyncset.done $0x0  }
0x5c: {  	[sflag:s23] =	ssyncadd.s32 $0xFFFFF000  }
0x5d: {  	_ =	swait.ge [sflag:s23], $0x1000  }
0x5e: {  	[sflag:s23] =	ssyncset.done $0x0  }
0x5f: {  	[sflag:s23] =	ssyncadd.s32 $0xFFFFF000  }
0x60: {  	_ =	swait.ge [sflag:s23], $0x1000  }
0x61: {  	[sflag:s23] =	ssyncset.done $0x0  }
0x62: {  	[sflag:s23] =	ssyncadd.s32 $0xFFFFF000  }
0x63: {  	_ =	swait.ge [sflag:s23], $0x1000  }
0x64: {  	[sflag:s23] =	ssyncset.done $0x0  }
0x65: {  	[sflag:s23] =	ssyncadd.s32 $0xFFFFF000  }
0x66: {  	_ =	swait.ge [sflag:s23], $0x1000  }
0x67: {  	[sflag:s23] =	ssyncset.done $0x0  }
0x68: {  	[sflag:s23] =	ssyncadd.s32 $0xFFFFF000  }
0x69: {  	_ =	swait.ge [sflag:s23], $0x1000  }
0x6a: {  	[sflag:s23] =	ssyncset.done $0x0  }
0x6b: {  	[sflag:s23] =	ssyncadd.s32 $0xFFFFF000  }
0x6c: {  	_ =	swait.ge [sflag:s23], $0x1000  }
0x6d: {  	[sflag:s23] =	ssyncset.done $0x0  }
0x6e: {  	[sflag:s23] =	ssyncadd.s32 $0xFFFFF000  }
0x6f: {  	_ =	swait.ge [sflag:s23], $0x1000  }
0x70: {  	p1 =	por $0x0, $0x0;
	[sflag:s23] =	ssyncset.done $0x0;
	s29 =	rddreg [dreg:$0x2]  }
0x71: {  	s4 =	simm.s32 @!p1 $0x0;
	s0 =	rddreg [dreg:$0x1a];
	[sflag:s23] =	ssyncadd.s32 $0xFFFFF000  }
0x72: {  	[tilespmem:s4], [sflag:$0x1] =	stream.linear.gather @!p1 [hbm4b:s0+s4], $0x400, $0x38;
	[tilespmem:$0x10800] =	vst v63  }
0x73: {  	s6 =	sadd.s32 $0x0, s29  }
0x74: {  	[hbm4b:s6+s24] =	stream.strided.scatter [tilespmem:s12], [sflag:$0x5], $0x4000, s11, s24, $0x38;
	[tilespmem:$0x10800] =	vst v63  }
0x75: {  	s1 =	sadd.s32 $0x4, s6  }
0x76: {  	[hbm4b:s1+s24] =	stream.strided.scatter [tilespmem:s13], [sflag:$0x5], $0x4000, s11, s24, $0x38;
	[tilespmem:$0x10800] =	vst v63  }
0x77: {  	_ =	swait.ge [sflag:s25], $0x1000  }
0x78: {  	[sflag:s25] =	ssyncset.done $0x0  }
0x79: {  	[sflag:s25] =	ssyncadd.s32 $0xFFFFF000  }
0x7a: {  	_ =	swait.ge [sflag:s25], $0x1000  }
0x7b: {  	[sflag:s25] =	ssyncset.done $0x0  }
0x7c: {  	[sflag:s25] =	ssyncadd.s32 $0xFFFFF000  }
0x7d: {  	_ =	swait.ge [sflag:s25], $0x1000  }
0x7e: {  	[sflag:s25] =	ssyncset.done $0x0  }
0x7f: {  	[sflag:s25] =	ssyncadd.s32 $0xFFFFF000  }
0x80: {  	_ =	swait.ge [sflag:s25], $0x1000  }
0x81: {  	[sflag:s25] =	ssyncset.done $0x0  }
0x82: {  	[sflag:s25] =	ssyncadd.s32 $0xFFFFF000  }
0x83: {  	_ =	swait.ge [sflag:s25], $0x1000  }
0x84: {  	[sflag:s25] =	ssyncset.done $0x0  }
0x85: {  	[sflag:s25] =	ssyncadd.s32 $0xFFFFF000  }
0x86: {  	_ =	swait.ge [sflag:s25], $0x1000  }
0x87: {  	[sflag:s25] =	ssyncset.done $0x0  }
0x88: {  	[sflag:s25] =	ssyncadd.s32 $0xFFFFF000  }
0x89: {  	_ =	swait.ge [sflag:s25], $0x1000  }
0x8a: {  	s30 =	simm.s32 $0x2000;
	[sflag:s25] =	ssyncset.done $0x0;
	s31 =	rddreg [dreg:$0x19]  }
0x8b: {  	s1 =	sadd.s32 $0x100, s0;
	[sflag:s25] =	ssyncadd.s32 $0xFFFFF000;
	s7 =	smov.u32 s31  }
.LBB2_2:
0x8c: {  	_ =	swait.ge [sflag:s25], $0x1000  }
0x8d: {  	[sflag:s25] =	ssyncset.done $0x0  }
0x8e: {  	s0 =	simm.s32 @!p1 $0x400;
	[sflag:s25] =	ssyncadd.s32 $0xFFFFF000  }
0x8f: {  	[tilespmem:s0], [sflag:$0x2] =	stream.linear.gather @!p1 [hbm4b:s31+s4], $0x400, $0x38;
	[tilespmem:$0x10800] =	vst v63  }
0x90: {  	s29 =	sadd.s32 $0x8, s6  }
0x91: {  	[hbm4b:s29+s24] =	stream.strided.scatter [tilespmem:s15], [sflag:$0x6], $0x4000, s11, s24, $0x38;
	[tilespmem:$0x10800] =	vst v63  }
0x92: {  	s4 =	sadd.s32 $0xC, s6  }
0x93: {  	[hbm4b:s4+s24] =	stream.strided.scatter [tilespmem:s16], [sflag:$0x6], $0x4000, s11, s24, $0x38;
	[tilespmem:$0x10800] =	vst v63  }
0x94: {  	s5 =	smov.u32 s30;
	_ =	swait.ge [sflag:s10], $0x400  }
0x95: {  	p1 =	seq.s32 s5, $0x0;
	[sflag:s10] =	ssyncset.done $0x0  }
0x96: {  	s0 =	simm.s32 @!p1 $0x5;
	[sflag:s10] =	ssyncadd.s32 $0xFFFFFC00  }
0x97: {  	_ =	swait.ge @!p1 [sflag:s0], $0x4000  }
0x98: {  	[sflag:s0] =	ssyncset.done @!p1 $0x0  }
0x99: {  	[sflag:s0] =	ssyncadd.s32 @!p1 $0xFFFFC000  }
0x9a: {  	_ =	swait.ge @!p1 [sflag:s0], $0x4000  }
0x9b: {  	s4 =	rddreg [dreg:$0xa]  }
0x9c: {  	s6 =	rddreg [dreg:$0x4]  }
0x9d: {  	s8 =	rddreg [dreg:$0x3]  }
0x9e: {  	[sflag:s0] =	ssyncset.done @!p1 $0x0;
	s26 =	rddreg [dreg:$0x7]  }
0x9f: {  	s28 =	rddreg [dreg:$0x6];
	[sflag:s0] =	ssyncadd.s32 @!p1 $0xFFFFC000  }
0xa0: {  	[tilespmem:s12], [sflag:$0x3] =	stream.indirect.gather [hbm4b:s3+s11], $0x20, s2, s11, $0xb8;
	[tilespmem:$0x10800] =	vst v63  }
0xa1: {  	s29 =	rddreg [dreg:$0x8]  }
0xa2: {  	[tilespmem:s8], [sflag:$0x3] =	stream.indirect.gather [hbm4b:s3+s11], $0x20, s11, s11, $0xb8;
	[tilespmem:$0x10800] =	vst v63  }
0xa3: {  	s0 =	rddreg [dreg:$0x5]  }
0xa4: {  	[tilespmem:s0], [sflag:$0x3] =	stream.indirect.gather [hbm4b:s3+s11], $0x20, s6, s11, $0xb8;
	[tilespmem:$0x10800] =	vst v63  }
0xa5: {  	s8 =	rddreg [dreg:$0x9]  }
0xa6: {  	[tilespmem:s26], [sflag:$0x3] =	stream.indirect.gather [hbm4b:s3+s11], $0x20, s28, s11, $0xb8;
	[tilespmem:$0x10800] =	vst v63  }
0xa7: {  	s6 =	rddreg [dreg:$0xc]  }
0xa8: {  	[tilespmem:s13], [sflag:$0x3] =	stream.indirect.gather [hbm4b:s3+s11], $0x20, s29, s11, $0xb8;
	[tilespmem:$0x10800] =	vst v63  }
0xa9: {  	s26 =	rddreg [dreg:$0xb]  }
0xaa: {  	[tilespmem:s4], [sflag:$0x3] =	stream.indirect.gather [hbm4b:s3+s11], $0x20, s8, s11, $0xb8;
	[tilespmem:$0x10800] =	vst v63  }
0xab: {  	s28 =	rddreg [dreg:$0xd]  }
0xac: {  	[tilespmem:s6], [sflag:$0x3] =	stream.indirect.gather [hbm4b:s3+s11], $0x20, s26, s11, $0xb8;
	[tilespmem:$0x10800] =	vst v63  }
0xad: {  	s29 =	rddreg [dreg:$0xe]  }
0xae: {  	[tilespmem:s29], [sflag:$0x3] =	stream.indirect.gather [hbm4b:s3+s11], $0x20, s28, s11, $0xb8;
	[tilespmem:$0x10800] =	vst v63  }
0xaf: {  	_ =	swait.ge [sflag:s14], $0x400  }
0xb0: {  	[sflag:s14] =	ssyncset.done $0x0  }
0xb1: {  	s0 =	simm.s32 @!p1 $0x6;
	[sflag:s14] =	ssyncadd.s32 $0xFFFFFC00  }
0xb2: {  	_ =	swait.ge @!p1 [sflag:s0], $0x4000  }
0xb3: {  	[sflag:s0] =	ssyncset.done @!p1 $0x0  }
0xb4: {  	[sflag:s0] =	ssyncadd.s32 @!p1 $0xFFFFC000  }
0xb5: {  	_ =	swait.ge @!p1 [sflag:s0], $0x4000  }
0xb6: {  	s4 =	rddreg [dreg:$0x13]  }
0xb7: {  	[sflag:s0] =	ssyncset.done @!p1 $0x0;
	s8 =	rddreg [dreg:$0xf]  }
0xb8: {  	s26 =	rddreg [dreg:$0x12];
	[sflag:s0] =	ssyncadd.s32 @!p1 $0xFFFFC000  }
0xb9: {  	[tilespmem:s15], [sflag:$0x4] =	stream.indirect.gather [hbm4b:s3+s11], $0x20, s9, s11, $0xb8;
	[tilespmem:$0x10800] =	vst v63  }
0xba: {  	s28 =	rddreg [dreg:$0x10]  }
0xbb: {  	[tilespmem:s28], [sflag:$0x4] =	stream.indirect.gather [hbm4b:s3+s11], $0x20, s8, s11, $0xb8;
	[tilespmem:$0x10800] =	vst v63  }
0xbc: {  	s29 =	rddreg [dreg:$0x11]  }
0xbd: {  	[tilespmem:s26], [sflag:$0x4] =	stream.indirect.gather [hbm4b:s3+s11], $0x20, s29, s11, $0xb8;
	[tilespmem:$0x10800] =	vst v63  }
0xbe: {  	s8 =	rddreg [dreg:$0x14]  }
0xbf: {  	[tilespmem:s8], [sflag:$0x4] =	stream.indirect.gather [hbm4b:s3+s11], $0x20, s4, s11, $0xb8;
	[tilespmem:$0x10800] =	vst v63  }
0xc0: {  	s28 =	rddreg [dreg:$0x15]  }
0xc1: {  	[tilespmem:s16], [sflag:$0x4] =	stream.indirect.gather [hbm4b:s3+s11], $0x20, s28, s11, $0xb8;
	[tilespmem:$0x10800] =	vst v63  }
0xc2: {  	_ = 	snop  }
0xc3: {  	[tilespmem:s18], [sflag:$0x4] =	stream.indirect.gather [hbm4b:s3+s11], $0x20, s17, s11, $0xb8;
	[tilespmem:$0x10800] =	vst v63  }
0xc4: {  	_ = 	snop  }
0xc5: {  	[tilespmem:s20], [sflag:$0x4] =	stream.indirect.gather [hbm4b:s3+s11], $0x20, s19, s11, $0xb8;
	[tilespmem:$0x10800] =	vst v63  }
0xc6: {  	_ = 	snop  }
0xc7: {  	[tilespmem:s22], [sflag:$0x4] =	stream.indirect.gather [hbm4b:s3+s11], $0x20, s21, s11, $0xb8;
	[tilespmem:$0x10800] =	vst v63  }
0xc8: {  	_ =	swait.ge [sflag:s23], $0x1000  }
0xc9: {  	[sflag:s23] =	ssyncset.done $0x0  }
0xca: {  	[sflag:s23] =	ssyncadd.s32 $0xFFFFF000  }
0xcb: {  	_ =	swait.ge [sflag:s23], $0x1000  }
0xcc: {  	[sflag:s23] =	ssyncset.done $0x0  }
0xcd: {  	[sflag:s23] =	ssyncadd.s32 $0xFFFFF000  }
0xce: {  	_ =	swait.ge [sflag:s23], $0x1000  }
0xcf: {  	[sflag:s23] =	ssyncset.done $0x0  }
0xd0: {  	[sflag:s23] =	ssyncadd.s32 $0xFFFFF000  }
0xd1: {  	_ =	swait.ge [sflag:s23], $0x1000  }
0xd2: {  	[sflag:s23] =	ssyncset.done $0x0  }
0xd3: {  	[sflag:s23] =	ssyncadd.s32 $0xFFFFF000  }
0xd4: {  	_ =	swait.ge [sflag:s23], $0x1000  }
0xd5: {  	[sflag:s23] =	ssyncset.done $0x0  }
0xd6: {  	[sflag:s23] =	ssyncadd.s32 $0xFFFFF000  }
0xd7: {  	_ =	swait.ge [sflag:s23], $0x1000  }
0xd8: {  	[sflag:s23] =	ssyncset.done $0x0  }
0xd9: {  	[sflag:s23] =	ssyncadd.s32 $0xFFFFF000  }
0xda: {  	_ =	swait.ge [sflag:s23], $0x1000  }
0xdb: {  	[sflag:s23] =	ssyncset.done $0x0  }
0xdc: {  	[sflag:s23] =	ssyncadd.s32 $0xFFFFF000  }
0xdd: {  	_ =	swait.ge [sflag:s23], $0x1000  }
0xde: {  	p1 =	seq.s32 s5, $0x62000;
	[sflag:s23] =	ssyncset.done $0x0  }
0xdf: {  	s4 =	simm.s32 @!p1 $0x0;
	s29 =	rddreg [dreg:$0x2];
	[sflag:s23] =	ssyncadd.s32 $0xFFFFF000  }
0xe0: {  	[tilespmem:s4], [sflag:$0x1] =	stream.linear.gather @!p1 [hbm4b:s1+s4], $0x400, $0x38;
	[tilespmem:$0x10800] =	vst v63  }
0xe1: {  	s6 =	sadd.s32 s5, s29  }
0xe2: {  	[hbm4b:s6+s24] =	stream.strided.scatter [tilespmem:s12], [sflag:$0x5], $0x4000, s11, s24, $0x38;
	[tilespmem:$0x10800] =	vst v63  }
0xe3: {  	s0 =	sadd.s32 $0x4, s6  }
0xe4: {  	[hbm4b:s0+s24] =	stream.strided.scatter [tilespmem:s13], [sflag:$0x5], $0x4000, s11, s24, $0x38;
	[tilespmem:$0x10800] =	vst v63  }
0xe5: {  	_ =	swait.ge [sflag:s25], $0x1000  }
0xe6: {  	[sflag:s25] =	ssyncset.done $0x0  }
0xe7: {  	[sflag:s25] =	ssyncadd.s32 $0xFFFFF000  }
0xe8: {  	_ =	swait.ge [sflag:s25], $0x1000  }
0xe9: {  	[sflag:s25] =	ssyncset.done $0x0  }
0xea: {  	[sflag:s25] =	ssyncadd.s32 $0xFFFFF000  }
0xeb: {  	_ =	swait.ge [sflag:s25], $0x1000  }
0xec: {  	[sflag:s25] =	ssyncset.done $0x0  }
0xed: {  	[sflag:s25] =	ssyncadd.s32 $0xFFFFF000  }
0xee: {  	_ =	swait.ge [sflag:s25], $0x1000  }
0xef: {  	[sflag:s25] =	ssyncset.done $0x0  }
0xf0: {  	[sflag:s25] =	ssyncadd.s32 $0xFFFFF000  }
0xf1: {  	_ =	swait.ge [sflag:s25], $0x1000  }
0xf2: {  	[sflag:s25] =	ssyncset.done $0x0  }
0xf3: {  	s30 =	sadd.s32 $0x2000, s30;
	[sflag:s25] =	ssyncadd.s32 $0xFFFFF000  }
0xf4: {  	p0 =	sne.s32 s30, $0x64000;
	_ =	swait.ge [sflag:s25], $0x1000  }
.Ltmp0:
0xf5: {  	[sflag:s25] =	ssyncset.done $0x0;
	(pc) =	sbr.rel @p0 .LBB2_2-.Ltmp0, $4  }
0xf6: {  	[sflag:s25] =	ssyncadd.s32 $0xFFFFF000  }
0xf7: {  	_ =	swait.ge [sflag:s25], $0x1000  }
0xf8: {  	s7 =	sadd.s32 $0x100, s7;
	[sflag:s25] =	ssyncset.done $0x0  }
0xf9: {  	s31 =	smov.u32 s7;
	s1 =	sadd.s32 $0x100, s1;
	[sflag:s25] =	ssyncadd.s32 $0xFFFFF000  }
0xfa: {  	_ =	swait.ge [sflag:s25], $0x1000  }
0xfb: {  	[sflag:s25] =	ssyncset.done $0x0  }
0xfc: {  	s0 =	simm.s32 @!p1 $0x400;
	[sflag:s25] =	ssyncadd.s32 $0xFFFFF000  }
0xfd: {  	[tilespmem:s0], [sflag:$0x2] =	stream.linear.gather @!p1 [hbm4b:s31+s4], $0x400, $0x38;
	[tilespmem:$0x10800] =	vst v63  }
0xfe: {  	s26 =	sadd.s32 $0x8, s6  }
0xff: {  	[hbm4b:s26+s24] =	stream.strided.scatter [tilespmem:s15], [sflag:$0x6], $0x4000, s11, s24, $0x38;
	[tilespmem:$0x10800] =	vst v63  }
0x100: {  	s28 =	sadd.s32 $0xC, s6;
	s29 =	simm.s32 $0x5  }
0x101: {  	[hbm4b:s28+s24] =	stream.strided.scatter [tilespmem:s16], [sflag:$0x6], $0x4000, s11, s24, $0x38;
	[tilespmem:$0x10800] =	vst v63  }
0x102: {  	_ =	swait.ge [sflag:s29], $0x4000  }
0x103: {  	[sflag:s29] =	ssyncset.done $0x0  }
0x104: {  	[sflag:s29] =	ssyncadd.s32 $0xFFFFC000  }
0x105: {  	_ =	swait.ge [sflag:s29], $0x4000  }
0x106: {  	[sflag:s29] =	ssyncset.done $0x0  }
0x107: {  	s1 =	simm.s32 $0x6;
	[sflag:s29] =	ssyncadd.s32 $0xFFFFC000  }
0x108: {  	_ =	swait.ge [sflag:s1], $0x4000  }
0x109: {  	[sflag:s1] =	ssyncset.done $0x0  }
0x10a: {  	[sflag:s1] =	ssyncadd.s32 $0xFFFFC000  }
0x10b: {  	_ =	swait.ge [sflag:s1], $0x4000  }
0x10c: {  	s30 =	rddreg [dreg:$0x1b]  }
0x10d: {  	s31 =	rddreg [dreg:$0x18];
	s4 =	sadd.s32 $0x1, s30  }
0x10e: {  	p0 =	sne.s32 s4, s31  }
.Ltmp1:
0x10f: {  	_ = 	snop;
	(pc) =	sbr.rel @p0 .LBB2_1-.Ltmp1, $3  }
0x110: {  	_ =	sdelay $0x1  }
0x111: {  	[sflag:s1] =	ssyncset.done $0x0  }
0x112: {  	[sflag:s1] =	ssyncadd.s32 $0xFFFFC000  }
0x113: {  	_ =	sfence.sel $0x180000  }
0x114: {  	[bflag:$0x0] =	sbarrier.arrive $0xFFFF  }
0x115: {  	_ =	strace $0x90000047  }
0x116: {  	s0 =	stileid.u32;
	[bflag:$0x2] =	sbarrier.arrive $0xFFFF  }
0x117: {  	p0 =	sne.s32 s0, $0x0;
	s0 =	rddreg [dreg:$0x1]  }
0x118: {  	s0 =	sadd.s32 @!p0 $0x100000, s0  }
0x119: {  	[sflag:s0] =	ssyncadd.tile.s32 @!p0 $0x1;
	_ =	shalt  }
.Lfunc_end2:
_tile_overlayer_lowered:
.L_overlay_start_2:
0x11a: {  	(tag) =	ssettag $0x2  }
0x11b: {  	s0 =	rddreg [dreg:$0x0];
	s2 =	stileid.u32  }
0x11c: {  	s1 =	rddreg [dreg:$0x1];
	p0 =	sne.s32 s2, $0x0  }
0x11d: {  	s3 =	rddreg [dreg:$0x2];
	[bflag:$0x3] =	sbarrier.arrive $0xFFFF;
	s2 =	simm.s32 @!p0 $0x1C07  }
0x11e: {  	[timem:s3], [sflag:s2] =	dma.local @!p0 [hbm:s0], s1  }
0x11f: {  	s0 =	simm.s32 @!p0 $0x7  }
0x120: {  	_ =	swait.ge @!p0 [sflag:s0], s1  }
0x121: {  	s1 =	ssub.s32 @!p0 $0x0, s1;
	[sflag:s0] =	ssyncset.done @!p0 $0x0  }
0x122: {  	[sflag:s0] =	ssyncadd.s32 @!p0 s1  }
0x123: {  	[bflag:$0x3] =	sbarrier.arrive $0xFFFF  }
0x124: {  	_ =	shalt  }

</sc_bundles>
